<compile_context>
chip_gen: v7x
topology: tpu7x:2x2x1
jax: 0.10.2.dev20260603
libtpu: 0.0.44.dev20260713+nightly
codegen_flags: <defaults>
</compile_context>

<pallas_src>
import functools

import jax
import jax.numpy as jnp
from jax import lax
from jax.experimental import pallas as pl
from jax.experimental.pallas import tpu as pltpu
from jax.experimental.pallas import tpu_sc as plsc

N = 100000
E = 1600000
D = 128
K = 32
TAU = 1.0
ALPHA = 1.0

BN = 2000
NB = N // BN
SINK_PASSES = 4
R = 1.0 / K
C = 1.0 / N

NW = 32
EPW = E // NW
EB = 1000
NCHUNK = EPW // EB
U = 8



def _q_body(h_ref, wh_ref, m_ref, q_ref, rs_ref):
    h = h_ref[...]
    wh = wh_ref[...]
    m = m_ref[...]
    hw = jnp.dot(h, wh.T, preferred_element_type=jnp.float32)
    hn = jnp.sqrt(jnp.sum(hw * hw, axis=1, keepdims=True))
    hw = hw / jnp.maximum(hn, 1e-8)
    mn = jnp.sqrt(jnp.sum(m * m, axis=1, keepdims=True))
    mm = m / jnp.maximum(mn, 1e-8)
    c = jnp.dot(hw, mm.T, preferred_element_type=jnp.float32) / TAU
    cmax = jnp.max(c, axis=1, keepdims=True)
    e = jnp.exp(c - cmax)
    q = e / jnp.sum(e, axis=1, keepdims=True)
    q_ref[...] = q
    part = jnp.sum(jnp.exp(20.0 * q), axis=0, keepdims=True)

    @pl.when(pl.program_id(0) == 0)
    def _():
        rs_ref[...] = part

    @pl.when(pl.program_id(0) != 0)
    def _():
        rs_ref[...] += part


def _compute_q(h, W_h, M):
    return pl.pallas_call(
        _q_body,
        grid=(NB,),
        in_specs=[
            pl.BlockSpec((BN, D), lambda i: (i, 0)),
            pl.BlockSpec((D, D), lambda i: (0, 0)),
            pl.BlockSpec((K, D), lambda i: (0, 0)),
        ],
        out_specs=[
            pl.BlockSpec((BN, K), lambda i: (i, 0)),
            pl.BlockSpec((1, K), lambda i: (0, 0)),
        ],
        out_shape=[
            jax.ShapeDtypeStruct((N, K), jnp.float32),
            jax.ShapeDtypeStruct((1, K), jnp.float32),
        ],
    )(h, W_h, M)



def _sink_body(rs_ref, q_ref, uout_ref, u_s, t_s):
    p = pl.program_id(0)
    i = pl.program_id(1)

    @pl.when(i == 0)
    def _():
        @pl.when(p == 0)
        def _():
            u_s[...] = R / rs_ref[...]

        @pl.when(p != 0)
        def _():
            u_s[...] = R / t_s[...]

        t_s[...] = jnp.zeros_like(t_s)

    a = jnp.exp(20.0 * q_ref[...])
    w = jnp.sum(a * u_s[...], axis=1, keepdims=True)
    v = C / w
    t_s[...] += jnp.sum(a * v, axis=0, keepdims=True)

    @pl.when(jnp.logical_and(p == SINK_PASSES - 1, i == NB - 1))
    def _():
        uout_ref[...] = R / t_s[...]


def _sinkhorn_u(rowsum, q):
    return pl.pallas_call(
        _sink_body,
        grid=(SINK_PASSES, NB),
        in_specs=[
            pl.BlockSpec((1, K), lambda p, i: (0, 0)),
            pl.BlockSpec((BN, K), lambda p, i: (i, 0)),
        ],
        out_specs=pl.BlockSpec((1, K), lambda p, i: (0, 0)),
        out_shape=jax.ShapeDtypeStruct((1, K), jnp.float32),
        scratch_shapes=[
            pltpu.VMEM((1, K), jnp.float32),
            pltpu.VMEM((1, K), jnp.float32),
        ],
    )(rowsum, q)



def _pool_body(q_ref, h_ref, u_ref, s_ref, cnt_ref, nl_ref):
    i = pl.program_id(0)
    q = q_ref[...]
    h = h_ref[...]
    u = u_ref[...]
    score = 20.0 * q + jnp.log(u)
    iota = lax.broadcasted_iota(jnp.int32, (1, K), 1)
    m = jnp.max(score, axis=1, keepdims=True)
    is_max = score >= m
    first = jnp.min(jnp.where(is_max, iota, K), axis=1, keepdims=True)
    onehot = (iota == first).astype(jnp.float32)
    s_part = lax.dot_general(onehot, h, (((0,), (0,)), ((), ())),
                             preferred_element_type=jnp.float32)
    cnt_part = jnp.sum(onehot, axis=0, keepdims=True)
    qsel = jnp.sum(onehot * q, axis=1, keepdims=True)
    nl_part = jnp.sum(jnp.log(qsel + 1e-12)).reshape(1, 1)

    @pl.when(i == 0)
    def _():
        s_ref[...] = s_part
        cnt_ref[...] = cnt_part
        nl_ref[...] = nl_part

    @pl.when(i != 0)
    def _():
        s_ref[...] += s_part
        cnt_ref[...] += cnt_part
        nl_ref[...] += nl_part


def _pool(q, h, u):
    return pl.pallas_call(
        _pool_body,
        grid=(NB,),
        in_specs=[
            pl.BlockSpec((BN, K), lambda i: (i, 0)),
            pl.BlockSpec((BN, D), lambda i: (i, 0)),
            pl.BlockSpec((1, K), lambda i: (0, 0)),
        ],
        out_specs=[
            pl.BlockSpec((K, D), lambda i: (0, 0)),
            pl.BlockSpec((1, K), lambda i: (0, 0)),
            pl.BlockSpec((1, 1), lambda i: (0, 0)),
        ],
        out_shape=[
            jax.ShapeDtypeStruct((K, D), jnp.float32),
            jax.ShapeDtypeStruct((1, K), jnp.float32),
            jax.ShapeDtypeStruct((1, 1), jnp.float32),
        ],
    )(q, h, u)



def _edge_body(q_hbm, src_hbm, dst_hbm, out_hbm, sidx, didx, srows, drows, accv, sem):
    wid = lax.axis_index("s") * 2 + lax.axis_index("c")
    base = wid * EPW

    def chunk(ci, accs):
        off = base + ci * EB
        pltpu.sync_copy(src_hbm.at[pl.ds(off, EB)], sidx)
        pltpu.sync_copy(dst_hbm.at[pl.ds(off, EB)], didx)
        cp1 = pltpu.async_copy(q_hbm.at[sidx], srows, sem)
        cp2 = pltpu.async_copy(q_hbm.at[didx], drows, sem)
        cp1.wait()
        cp2.wait()

        def inner(j, accs):
            accs = list(accs)
            for e in range(U):
                i = j * U + e
                p0 = srows[i, 0:16] * drows[i, 0:16]
                p1 = srows[i, 16:32] * drows[i, 16:32]
                accs[e] = accs[e] + p0 + p1
            return tuple(accs)

        return lax.fori_loop(0, EB // U, inner, accs)

    zero = jnp.zeros((16,), jnp.float32)
    accs = lax.fori_loop(0, NCHUNK, chunk, (zero,) * U)
    total = accs[0]
    for e in range(1, U):
        total = total + accs[e]
    accv[...] = total
    pltpu.sync_copy(accv, out_hbm.at[wid])


def _edge_partials(q, edge_index):
    mesh = plsc.VectorSubcoreMesh(core_axis_name="c", subcore_axis_name="s")
    f = functools.partial(
        pl.kernel,
        mesh=mesh,
        compiler_params=pltpu.CompilerParams(use_tc_tiling_on_sc=False),
        out_type=jax.ShapeDtypeStruct((NW, 16), jnp.float32),
        scratch_types=[
            pltpu.VMEM((EB,), jnp.int32),
            pltpu.VMEM((EB,), jnp.int32),
            pltpu.VMEM((EB, K), jnp.float32),
            pltpu.VMEM((EB, K), jnp.float32),
            pltpu.VMEM((16,), jnp.float32),
            pltpu.SemaphoreType.DMA,
        ],
    )(_edge_body)
    return f(q, edge_index[0], edge_index[1])



def _final_body(s_ref, cnt_ref, nl_ref, ep_ref, ws_ref, m_ref, out_ref):
    cnt = jnp.maximum(cnt_ref[...], 1.0)
    iota_r = lax.broadcasted_iota(jnp.int32, (K, K), 0)
    iota_c = lax.broadcasted_iota(jnp.int32, (K, K), 1)
    eye = (iota_r == iota_c).astype(jnp.float32)
    dinv = eye * (1.0 / cnt)
    s = jnp.dot(dinv, s_ref[...], preferred_element_type=jnp.float32)
    sw = jnp.dot(s, ws_ref[...].T, preferred_element_type=jnp.float32)
    sn = jnp.sqrt(jnp.sum(sw * sw, axis=1, keepdims=True))
    sw = sw / jnp.maximum(sn, 1e-8)
    m = m_ref[...]
    mn = jnp.sqrt(jnp.sum(m * m, axis=1, keepdims=True))
    mm = m / jnp.maximum(mn, 1e-8)
    c = jnp.dot(sw, mm.T, preferred_element_type=jnp.float32) / TAU
    cmax = jnp.max(c, axis=1, keepdims=True)
    e = jnp.exp(c - cmax)
    p = e / jnp.sum(e, axis=1, keepdims=True)
    diag = jnp.sum(p * eye, axis=1, keepdims=True)
    loss_mot_sub = -jnp.sum(jnp.log(diag + 1e-12), keepdims=True).reshape(1, 1) / K
    loss_node_mot = -nl_ref[...] / N
    loss_reg = -jnp.sum(ep_ref[...], keepdims=True).reshape(1, 1) / E
    out_ref[...] = ALPHA * (loss_mot_sub + loss_node_mot + loss_reg)


def _final(s_raw, cnt, nl, edge_parts, W_s, M):
    return pl.pallas_call(
        _final_body,
        out_shape=jax.ShapeDtypeStruct((1, 1), jnp.float32),
    )(s_raw, cnt, nl, edge_parts, W_s, M)



def kernel(h, edge_index, M, W_h, W_s):
    q, rowsum = _compute_q(h, W_h, M)
    edge_parts = _edge_partials(q, edge_index)
    u = _sinkhorn_u(rowsum, q)
    s_raw, cnt, nl = _pool(q, h, u)
    out = _final(s_raw, cnt, nl, edge_parts, W_s, M)
    return out.reshape(())

# --- scband reference (transcript-rebuilt; emitter-appended) ---
"""Pipeline reference for scband-micro-graph-53532472378063 (READ-ONLY COPY).

The authoritative reference and input builder live on the scoring server;
editing this copy changes nothing except your own understanding.
"""

import jax, jax.numpy as jnp
import numpy as np

N = 100000
E = 1600000
D = 128
K = 32
TAU = 1.0
ALPHA = 1.0


def _cosine(a, b, eps=1e-8):
    a_n = jnp.linalg.norm(a, axis=1, keepdims=True)
    b_n = jnp.linalg.norm(b, axis=1, keepdims=True)
    a = a / jnp.maximum(a_n, eps)
    b = b / jnp.maximum(b_n, eps)
    return a @ b.T


def setup_inputs(seed: int = 0) -> dict:
    key = jax.random.key(seed)
    k1, k2, k3, k4, k5 = jax.random.split(key, 5)
    h = jax.random.normal(k1, (N, D), dtype=jnp.float32)
    edge_index = jax.random.randint(k2, (2, E), 0, N, dtype=jnp.int32)
    M = jax.random.uniform(k3, (K, D), dtype=jnp.float32)
    W_h = jax.random.uniform(k4, (D, D), dtype=jnp.float32)
    W_s = jax.random.uniform(k5, (D, D), dtype=jnp.float32)
    return {"h": h, "edge_index": edge_index, "M": M, "W_h": W_h, "W_s": W_s}


def reference(h, edge_index, M, W_h, W_s):
    # Q = softmax(cosine(W_h h_i, M.detach()) / tau)  -- node->motif soft assignment
    Q = _cosine(h @ W_h.T, jax.lax.stop_gradient(M))
    Q = jax.nn.softmax(Q / TAU, axis=-1)  # [N, K]

    # ---- sinkhorn + pool_sub run under torch.no_grad() ----
    Qng = jax.lax.stop_gradient(Q)
    Qs = jnp.exp(Qng.T * 20.0)  # [K, N]
    Qs = Qs / jnp.sum(Qs)
    r = 1.0 / Qs.shape[0]
    c = 1.0 / Qs.shape[1]
    for _ in range(5):
        Qs = Qs * (r / jnp.sum(Qs, axis=1))[:, None]
        Qs = Qs * (c / jnp.sum(Qs, axis=0))[None, :]
    Qn = Qs / jnp.sum(Qs, axis=0, keepdims=True)
    assign = jnp.argmax(Qn, axis=0)  # hard motif id per node, [N]

    # pool_sub: mean of node embeddings per motif (scatter-add + count)
    counts = jnp.bincount(assign, length=K).astype(h.dtype)
    hs = jax.lax.stop_gradient(h)
    s = jnp.zeros((K, h.shape[1]), dtype=h.dtype).at[assign].add(hs)
    s = s / jnp.maximum(counts, 1.0)[:, None]
    # min_motif_size = -1  =>  keep = all K motifs; P_hat = identity over motifs

    P = _cosine(jax.lax.stop_gradient(s) @ W_s.T, M)
    P = jax.nn.softmax(P / TAU, axis=-1)  # [K, K]

    # motif_loss
    loss_mot_sub = -jnp.mean(jnp.log(jnp.diagonal(P) + 1e-12))
    loss_node_mot = -jnp.mean(jnp.log(Q[jnp.arange(Q.shape[0]), assign] + 1e-12))
    src = edge_index[0]
    dst = edge_index[1]
    # spectral regularizer: -tr(Q^T A Q) / |E|, computed via edge gathers
    loss_reg = -jnp.sum(Q[src] * Q[dst]) / edge_index.shape[1]
    loss_m = loss_mot_sub + loss_node_mot + loss_reg

    # alpha = 1 -> contrastive term has zero weight
    return ALPHA * loss_m

if __name__ == "__main__":
    import jax
    _d = setup_inputs()
    print(jax.jit(kernel)(*tuple(_d.values())))

</pallas_src>

<mosaic_0001>
#map = affine_map<(d0, d1) -> (0, 0)>
#map1 = affine_map<(d0, d1) -> (0)>
module attributes {stable_mosaic.version = 14 : i64} {
  func.func @_edge_body(%arg0: i32, %arg1: i32, %arg2: memref<100000x32xf32, #tpu.memory_space<hbm>>, %arg3: memref<1600000xi32, #tpu.memory_space<hbm>>, %arg4: memref<1600000xi32, #tpu.memory_space<hbm>>, %arg5: memref<32x16xf32, #tpu.memory_space<hbm>>, %arg6: memref<1000xi32, #tpu.memory_space<vmem>>, %arg7: memref<1000xi32, #tpu.memory_space<vmem>>, %arg8: memref<1000x32xf32, #tpu.memory_space<vmem>>, %arg9: memref<1000x32xf32, #tpu.memory_space<vmem>>, %arg10: memref<16xf32, #tpu.memory_space<vmem>>, %arg11: memref<!tpu.dma_semaphore, #tpu.memory_space<semaphore_mem>>) attributes {dimension_semantics = [#tpu.dimension_semantics<core_parallel>, #tpu.dimension_semantics<subcore_parallel>], iteration_bounds = array<i64: 2, 16>, scalar_prefetch = 0 : i64, scratch_operands = 6 : i64, tpu.core_type = #tpu.core_type<sc_vector_subcore>, window_params = [{transform_indices = #map}, {transform_indices = #map1}, {transform_indices = #map1}, {transform_indices = #map}]} {
    %mul3A = arith.constant 2 : i32
    %mul3A_0 = arith.muli %arg1, %mul3A : i32
    %add3A = arith.addi %mul3A_0, %arg0 : i32
    %mul3A_1 = arith.constant 50000 : i32
    %mul3A_2 = arith.muli %add3A, %mul3A_1 : i32
    %broadcast_in_dim3A = arith.constant 0.000000e+00 : f32
    %broadcast_in_dim3A_3 = vector.broadcast %broadcast_in_dim3A : f32 to vector<16xf32>
    %scan3A = arith.constant 0 : i32
    %scan3A_4 = arith.constant 50 : i32
    %scan3A_5 = arith.addi %scan3A, %scan3A_4 : i32
    %scan3A_6 = arith.constant 1 : i32
    %scan3A_7:8 = scf.for %scan3A_19 = %scan3A to %scan3A_5 step %scan3A_6 iter_args(%scan3A_20 = %broadcast_in_dim3A_3, %scan3A_21 = %broadcast_in_dim3A_3, %scan3A_22 = %broadcast_in_dim3A_3, %scan3A_23 = %broadcast_in_dim3A_3, %scan3A_24 = %broadcast_in_dim3A_3, %scan3A_25 = %broadcast_in_dim3A_3, %scan3A_26 = %broadcast_in_dim3A_3, %scan3A_27 = %broadcast_in_dim3A_3) -> (vector<16xf32>, vector<16xf32>, vector<16xf32>, vector<16xf32>, vector<16xf32>, vector<16xf32>, vector<16xf32>, vector<16xf32>)  : i32 {
      %mul3A_28 = arith.constant 1000 : i32
      %mul3A_29 = arith.muli %scan3A_19, %mul3A_28 : i32
      %add3A_30 = arith.addi %mul3A_2, %mul3A_29 : i32
      "tpu.region"() ({
        %run_scoped3A = tpu.sem_alloc : memref<!tpu.dma_semaphore, #tpu.memory_space<semaphore_mem>>
        %dma_start3A_47 = tpu.memref_slice %arg3[%add3A_30] : memref<1600000xi32, #tpu.memory_space<hbm>> -> memref<1000xi32, #tpu.memory_space<hbm>>
        %dma_start3A_48 = tpu.memref_slice %arg3[%add3A_30] : memref<1600000xi32, #tpu.memory_space<hbm>> -> memref<1000xi32, #tpu.memory_space<hbm>>
        tpu.enqueue_dma source(%dma_start3A_48 : memref<1000xi32, #tpu.memory_space<hbm>>) target(%arg6 : memref<1000xi32, #tpu.memory_space<vmem>>) target_semaphore(%run_scoped3A : memref<!tpu.dma_semaphore, #tpu.memory_space<semaphore_mem>>)
        %dma_wait3A_49 = tpu.memref_slice %arg3[%add3A_30] : memref<1600000xi32, #tpu.memory_space<hbm>> -> memref<1000xi32, #tpu.memory_space<hbm>>
        %dma_wait3A_50 = tpu.memref_slice %arg3[%add3A_30] : memref<1600000xi32, #tpu.memory_space<hbm>> -> memref<1000xi32, #tpu.memory_space<hbm>>
        tpu.wait_dma2 semaphore(%run_scoped3A : memref<!tpu.dma_semaphore, #tpu.memory_space<semaphore_mem>>) src(%dma_wait3A_50 : memref<1000xi32, #tpu.memory_space<hbm>>) dst(%arg6 : memref<1000xi32, #tpu.memory_space<vmem>>)
        tpu.yield
      }) : () -> ()
      "tpu.region"() ({
        %run_scoped3A = tpu.sem_alloc : memref<!tpu.dma_semaphore, #tpu.memory_space<semaphore_mem>>
        %dma_start3A_47 = tpu.memref_slice %arg4[%add3A_30] : memref<1600000xi32, #tpu.memory_space<hbm>> -> memref<1000xi32, #tpu.memory_space<hbm>>
        %dma_start3A_48 = tpu.memref_slice %arg4[%add3A_30] : memref<1600000xi32, #tpu.memory_space<hbm>> -> memref<1000xi32, #tpu.memory_space<hbm>>
        tpu.enqueue_dma source(%dma_start3A_48 : memref<1000xi32, #tpu.memory_space<hbm>>) target(%arg7 : memref<1000xi32, #tpu.memory_space<vmem>>) target_semaphore(%run_scoped3A : memref<!tpu.dma_semaphore, #tpu.memory_space<semaphore_mem>>)
        %dma_wait3A_49 = tpu.memref_slice %arg4[%add3A_30] : memref<1600000xi32, #tpu.memory_space<hbm>> -> memref<1000xi32, #tpu.memory_space<hbm>>
        %dma_wait3A_50 = tpu.memref_slice %arg4[%add3A_30] : memref<1600000xi32, #tpu.memory_space<hbm>> -> memref<1000xi32, #tpu.memory_space<hbm>>
        tpu.wait_dma2 semaphore(%run_scoped3A : memref<!tpu.dma_semaphore, #tpu.memory_space<semaphore_mem>>) src(%dma_wait3A_50 : memref<1000xi32, #tpu.memory_space<hbm>>) dst(%arg7 : memref<1000xi32, #tpu.memory_space<vmem>>)
        tpu.yield
      }) : () -> ()
      %dma_start3A = arith.constant 0 : i32
      %dma_start3A_31 = arith.constant 0 : i32
      %dma_start3A_32 = tpu.memref_slice %arg2[%dma_start3A, %dma_start3A_31] : memref<100000x32xf32, #tpu.memory_space<hbm>> -> memref<100000x32xf32, #tpu.memory_space<hbm>>
      tpu.enqueue_indirect_dma source(%dma_start3A_32 : memref<100000x32xf32, #tpu.memory_space<hbm>>) target(%arg8 : memref<1000x32xf32, #tpu.memory_space<vmem>>) offsets(%arg6 : memref<1000xi32, #tpu.memory_space<vmem>>) semaphore(%arg11 : memref<!tpu.dma_semaphore, #tpu.memory_space<semaphore_mem>>)
      %dma_start3A_33 = arith.constant 0 : i32
      %dma_start3A_34 = arith.constant 0 : i32
      %dma_start3A_35 = tpu.memref_slice %arg2[%dma_start3A_33, %dma_start3A_34] : memref<100000x32xf32, #tpu.memory_space<hbm>> -> memref<100000x32xf32, #tpu.memory_space<hbm>>
      tpu.enqueue_indirect_dma source(%dma_start3A_35 : memref<100000x32xf32, #tpu.memory_space<hbm>>) target(%arg9 : memref<1000x32xf32, #tpu.memory_space<vmem>>) offsets(%arg7 : memref<1000xi32, #tpu.memory_space<vmem>>) semaphore(%arg11 : memref<!tpu.dma_semaphore, #tpu.memory_space<semaphore_mem>>)
      %dma_wait3A = arith.constant 0 : i32
      %dma_wait3A_36 = arith.constant 0 : i32
      %dma_wait3A_37 = tpu.memref_slice %arg2[%dma_wait3A, %dma_wait3A_36] : memref<100000x32xf32, #tpu.memory_space<hbm>> -> memref<100000x32xf32, #tpu.memory_space<hbm>>
      tpu.wait_indirect_dma semaphore(%arg11 : memref<!tpu.dma_semaphore, #tpu.memory_space<semaphore_mem>>) src(%dma_wait3A_37 : memref<100000x32xf32, #tpu.memory_space<hbm>>) dst(%arg8 : memref<1000x32xf32, #tpu.memory_space<vmem>>)
      %dma_wait3A_38 = arith.constant 0 : i32
      %dma_wait3A_39 = arith.constant 0 : i32
      %dma_wait3A_40 = tpu.memref_slice %arg2[%dma_wait3A_38, %dma_wait3A_39] : memref<100000x32xf32, #tpu.memory_space<hbm>> -> memref<100000x32xf32, #tpu.memory_space<hbm>>
      tpu.wait_indirect_dma semaphore(%arg11 : memref<!tpu.dma_semaphore, #tpu.memory_space<semaphore_mem>>) src(%dma_wait3A_40 : memref<100000x32xf32, #tpu.memory_space<hbm>>) dst(%arg9 : memref<1000x32xf32, #tpu.memory_space<vmem>>)
      %scan3A_41 = arith.constant 0 : i32
      %scan3A_42 = arith.constant 125 : i32
      %scan3A_43 = arith.addi %scan3A_41, %scan3A_42 : i32
      %scan3A_44 = arith.constant 1 : i32
      %scan3A_45:8 = scf.for %scan3A_47 = %scan3A_41 to %scan3A_43 step %scan3A_44 iter_args(%scan3A_48 = %scan3A_20, %scan3A_49 = %scan3A_21, %scan3A_50 = %scan3A_22, %scan3A_51 = %scan3A_23, %scan3A_52 = %scan3A_24, %scan3A_53 = %scan3A_25, %scan3A_54 = %scan3A_26, %scan3A_55 = %scan3A_27) -> (vector<16xf32>, vector<16xf32>, vector<16xf32>, vector<16xf32>, vector<16xf32>, vector<16xf32>, vector<16xf32>, vector<16xf32>)  : i32 {
        %mul3A_56 = arith.constant 8 : i32
        %mul3A_57 = arith.muli %scan3A_47, %mul3A_56 : i32
        %add3A_58 = arith.constant 0 : i32
        %add3A_59 = arith.addi %mul3A_57, %add3A_58 : i32
        %get3A = arith.index_cast %add3A_59 : i32 to index
        %get3A_60 = arith.constant 0 : index
        %get3A_61 = tpu.vector_load %arg8[%get3A, %get3A_60] {strides = array<i32>} : memref<1000x32xf32, #tpu.memory_space<vmem>>, vector<1x16xf32>,
        %get3A_62 = vector.shape_cast %get3A_61 : vector<1x16xf32> to vector<16xf32>
        %get3A_63 = arith.index_cast %add3A_59 : i32 to index
        %get3A_64 = arith.constant 0 : index
        %get3A_65 = tpu.vector_load %arg9[%get3A_63, %get3A_64] {strides = array<i32>} : memref<1000x32xf32, #tpu.memory_space<vmem>>, vector<1x16xf32>,
        %get3A_66 = vector.shape_cast %get3A_65 : vector<1x16xf32> to vector<16xf32>
        %mul3A_67 = arith.mulf %get3A_62, %get3A_66 : vector<16xf32>
        %get3A_68 = arith.index_cast %add3A_59 : i32 to index
        %get3A_69 = arith.constant 16 : index
        %get3A_70 = tpu.vector_load %arg8[%get3A_68, %get3A_69] {strides = array<i32>} : memref<1000x32xf32, #tpu.memory_space<vmem>>, vector<1x16xf32>,
        %get3A_71 = vector.shape_cast %get3A_70 : vector<1x16xf32> to vector<16xf32>
        %get3A_72 = arith.index_cast %add3A_59 : i32 to index
        %get3A_73 = arith.constant 16 : index
        %get3A_74 = tpu.vector_load %arg9[%get3A_72, %get3A_73] {strides = array<i32>} : memref<1000x32xf32, #tpu.memory_space<vmem>>, vector<1x16xf32>,
        %get3A_75 = vector.shape_cast %get3A_74 : vector<1x16xf32> to vector<16xf32>
        %mul3A_76 = arith.mulf %get3A_71, %get3A_75 : vector<16xf32>
        %add3A_77 = arith.addf %scan3A_48, %mul3A_67 : vector<16xf32>
        %add3A_78 = arith.addf %add3A_77, %mul3A_76 : vector<16xf32>
        %mul3A_79 = arith.constant 8 : i32
        %mul3A_80 = arith.muli %scan3A_47, %mul3A_79 : i32
        %add3A_81 = arith.constant 1 : i32
        %add3A_82 = arith.addi %mul3A_80, %add3A_81 : i32
        %get3A_83 = arith.index_cast %add3A_82 : i32 to index
        %get3A_84 = arith.constant 0 : index
        %get3A_85 = tpu.vector_load %arg8[%get3A_83, %get3A_84] {strides = array<i32>} : memref<1000x32xf32, #tpu.memory_space<vmem>>, vector<1x16xf32>,
        %get3A_86 = vector.shape_cast %get3A_85 : vector<1x16xf32> to vector<16xf32>
        %get3A_87 = arith.index_cast %add3A_82 : i32 to index
        %get3A_88 = arith.constant 0 : index
        %get3A_89 = tpu.vector_load %arg9[%get3A_87, %get3A_88] {strides = array<i32>} : memref<1000x32xf32, #tpu.memory_space<vmem>>, vector<1x16xf32>,
        %get3A_90 = vector.shape_cast %get3A_89 : vector<1x16xf32> to vector<16xf32>
        %mul3A_91 = arith.mulf %get3A_86, %get3A_90 : vector<16xf32>
        %get3A_92 = arith.index_cast %add3A_82 : i32 to index
        %get3A_93 = arith.constant 16 : index
        %get3A_94 = tpu.vector_load %arg8[%get3A_92, %get3A_93] {strides = array<i32>} : memref<1000x32xf32, #tpu.memory_space<vmem>>, vector<1x16xf32>,
        %get3A_95 = vector.shape_cast %get3A_94 : vector<1x16xf32> to vector<16xf32>
        %get3A_96 = arith.index_cast %add3A_82 : i32 to index
        %get3A_97 = arith.constant 16 : index
        %get3A_98 = tpu.vector_load %arg9[%get3A_96, %get3A_97] {strides = array<i32>} : memref<1000x32xf32, #tpu.memory_space<vmem>>, vector<1x16xf32>,
        %get3A_99 = vector.shape_cast %get3A_98 : vector<1x16xf32> to vector<16xf32>
        %mul3A_100 = arith.mulf %get3A_95, %get3A_99 : vector<16xf32>
        %add3A_101 = arith.addf %scan3A_49, %mul3A_91 : vector<16xf32>
        %add3A_102 = arith.addf %add3A_101, %mul3A_100 : vector<16xf32>
        %mul3A_103 = arith.constant 8 : i32
        %mul3A_104 = arith.muli %scan3A_47, %mul3A_103 : i32
        %add3A_105 = arith.constant 2 : i32
        %add3A_106 = arith.addi %mul3A_104, %add3A_105 : i32
        %get3A_107 = arith.index_cast %add3A_106 : i32 to index
        %get3A_108 = arith.constant 0 : index
        %get3A_109 = tpu.vector_load %arg8[%get3A_107, %get3A_108] {strides = array<i32>} : memref<1000x32xf32, #tpu.memory_space<vmem>>, vector<1x16xf32>,
        %get3A_110 = vector.shape_cast %get3A_109 : vector<1x16xf32> to vector<16xf32>
        %get3A_111 = arith.index_cast %add3A_106 : i32 to index
        %get3A_112 = arith.constant 0 : index
        %get3A_113 = tpu.vector_load %arg9[%get3A_111, %get3A_112] {strides = array<i32>} : memref<1000x32xf32, #tpu.memory_space<vmem>>, vector<1x16xf32>,
        %get3A_114 = vector.shape_cast %get3A_113 : vector<1x16xf32> to vector<16xf32>
        %mul3A_115 = arith.mulf %get3A_110, %get3A_114 : vector<16xf32>
        %get3A_116 = arith.index_cast %add3A_106 : i32 to index
        %get3A_117 = arith.constant 16 : index
        %get3A_118 = tpu.vector_load %arg8[%get3A_116, %get3A_117] {strides = array<i32>} : memref<1000x32xf32, #tpu.memory_space<vmem>>, vector<1x16xf32>,
        %get3A_119 = vector.shape_cast %get3A_118 : vector<1x16xf32> to vector<16xf32>
        %get3A_120 = arith.index_cast %add3A_106 : i32 to index
        %get3A_121 = arith.constant 16 : index
        %get3A_122 = tpu.vector_load %arg9[%get3A_120, %get3A_121] {strides = array<i32>} : memref<1000x32xf32, #tpu.memory_space<vmem>>, vector<1x16xf32>,
        %get3A_123 = vector.shape_cast %get3A_122 : vector<1x16xf32> to vector<16xf32>
        %mul3A_124 = arith.mulf %get3A_119, %get3A_123 : vector<16xf32>
        %add3A_125 = arith.addf %scan3A_50, %mul3A_115 : vector<16xf32>
        %add3A_126 = arith.addf %add3A_125, %mul3A_124 : vector<16xf32>
        %mul3A_127 = arith.constant 8 : i32
        %mul3A_128 = arith.muli %scan3A_47, %mul3A_127 : i32
        %add3A_129 = arith.constant 3 : i32
        %add3A_130 = arith.addi %mul3A_128, %add3A_129 : i32
        %get3A_131 = arith.index_cast %add3A_130 : i32 to index
        %get3A_132 = arith.constant 0 : index
        %get3A_133 = tpu.vector_load %arg8[%get3A_131, %get3A_132] {strides = array<i32>} : memref<1000x32xf32, #tpu.memory_space<vmem>>, vector<1x16xf32>,
        %get3A_134 = vector.shape_cast %get3A_133 : vector<1x16xf32> to vector<16xf32>
        %get3A_135 = arith.index_cast %add3A_130 : i32 to index
        %get3A_136 = arith.constant 0 : index
        %get3A_137 = tpu.vector_load %arg9[%get3A_135, %get3A_136] {strides = array<i32>} : memref<1000x32xf32, #tpu.memory_space<vmem>>, vector<1x16xf32>,
        %get3A_138 = vector.shape_cast %get3A_137 : vector<1x16xf32> to vector<16xf32>
        %mul3A_139 = arith.mulf %get3A_134, %get3A_138 : vector<16xf32>
        %get3A_140 = arith.index_cast %add3A_130 : i32 to index
        %get3A_141 = arith.constant 16 : index
        %get3A_142 = tpu.vector_load %arg8[%get3A_140, %get3A_141] {strides = array<i32>} : memref<1000x32xf32, #tpu.memory_space<vmem>>, vector<1x16xf32>,
        %get3A_143 = vector.shape_cast %get3A_142 : vector<1x16xf32> to vector<16xf32>
        %get3A_144 = arith.index_cast %add3A_130 : i32 to index
        %get3A_145 = arith.constant 16 : index
        %get3A_146 = tpu.vector_load %arg9[%get3A_144, %get3A_145] {strides = array<i32>} : memref<1000x32xf32, #tpu.memory_space<vmem>>, vector<1x16xf32>,
        %get3A_147 = vector.shape_cast %get3A_146 : vector<1x16xf32> to vector<16xf32>
        %mul3A_148 = arith.mulf %get3A_143, %get3A_147 : vector<16xf32>
        %add3A_149 = arith.addf %scan3A_51, %mul3A_139 : vector<16xf32>
        %add3A_150 = arith.addf %add3A_149, %mul3A_148 : vector<16xf32>
        %mul3A_151 = arith.constant 8 : i32
        %mul3A_152 = arith.muli %scan3A_47, %mul3A_151 : i32
        %add3A_153 = arith.constant 4 : i32
        %add3A_154 = arith.addi %mul3A_152, %add3A_153 : i32
        %get3A_155 = arith.index_cast %add3A_154 : i32 to index
        %get3A_156 = arith.constant 0 : index
        %get3A_157 = tpu.vector_load %arg8[%get3A_155, %get3A_156] {strides = array<i32>} : memref<1000x32xf32, #tpu.memory_space<vmem>>, vector<1x16xf32>,
        %get3A_158 = vector.shape_cast %get3A_157 : vector<1x16xf32> to vector<16xf32>
        %get3A_159 = arith.index_cast %add3A_154 : i32 to index
        %get3A_160 = arith.constant 0 : index
        %get3A_161 = tpu.vector_load %arg9[%get3A_159, %get3A_160] {strides = array<i32>} : memref<1000x32xf32, #tpu.memory_space<vmem>>, vector<1x16xf32>,
        %get3A_162 = vector.shape_cast %get3A_161 : vector<1x16xf32> to vector<16xf32>
        %mul3A_163 = arith.mulf %get3A_158, %get3A_162 : vector<16xf32>
        %get3A_164 = arith.index_cast %add3A_154 : i32 to index
        %get3A_165 = arith.constant 16 : index
        %get3A_166 = tpu.vector_load %arg8[%get3A_164, %get3A_165] {strides = array<i32>} : memref<1000x32xf32, #tpu.memory_space<vmem>>, vector<1x16xf32>,
        %get3A_167 = vector.shape_cast %get3A_166 : vector<1x16xf32> to vector<16xf32>
        %get3A_168 = arith.index_cast %add3A_154 : i32 to index
        %get3A_169 = arith.constant 16 : index
        %get3A_170 = tpu.vector_load %arg9[%get3A_168, %get3A_169] {strides = array<i32>} : memref<1000x32xf32, #tpu.memory_space<vmem>>, vector<1x16xf32>,
        %get3A_171 = vector.shape_cast %get3A_170 : vector<1x16xf32> to vector<16xf32>
        %mul3A_172 = arith.mulf %get3A_167, %get3A_171 : vector<16xf32>
        %add3A_173 = arith.addf %scan3A_52, %mul3A_163 : vector<16xf32>
        %add3A_174 = arith.addf %add3A_173, %mul3A_172 : vector<16xf32>
        %mul3A_175 = arith.constant 8 : i32
        %mul3A_176 = arith.muli %scan3A_47, %mul3A_175 : i32
        %add3A_177 = arith.constant 5 : i32
        %add3A_178 = arith.addi %mul3A_176, %add3A_177 : i32
        %get3A_179 = arith.index_cast %add3A_178 : i32 to index
        %get3A_180 = arith.constant 0 : index
        %get3A_181 = tpu.vector_load %arg8[%get3A_179, %get3A_180] {strides = array<i32>} : memref<1000x32xf32, #tpu.memory_space<vmem>>, vector<1x16xf32>,
        %get3A_182 = vector.shape_cast %get3A_181 : vector<1x16xf32> to vector<16xf32>
        %get3A_183 = arith.index_cast %add3A_178 : i32 to index
        %get3A_184 = arith.constant 0 : index
        %get3A_185 = tpu.vector_load %arg9[%get3A_183, %get3A_184] {strides = array<i32>} : memref<1000x32xf32, #tpu.memory_space<vmem>>, vector<1x16xf32>,
        %get3A_186 = vector.shape_cast %get3A_185 : vector<1x16xf32> to vector<16xf32>
        %mul3A_187 = arith.mulf %get3A_182, %get3A_186 : vector<16xf32>
        %get3A_188 = arith.index_cast %add3A_178 : i32 to index
        %get3A_189 = arith.constant 16 : index
        %get3A_190 = tpu.vector_load %arg8[%get3A_188, %get3A_189] {strides = array<i32>} : memref<1000x32xf32, #tpu.memory_space<vmem>>, vector<1x16xf32>,
        %get3A_191 = vector.shape_cast %get3A_190 : vector<1x16xf32> to vector<16xf32>
        %get3A_192 = arith.index_cast %add3A_178 : i32 to index
        %get3A_193 = arith.constant 16 : index
        %get3A_194 = tpu.vector_load %arg9[%get3A_192, %get3A_193] {strides = array<i32>} : memref<1000x32xf32, #tpu.memory_space<vmem>>, vector<1x16xf32>,
        %get3A_195 = vector.shape_cast %get3A_194 : vector<1x16xf32> to vector<16xf32>
        %mul3A_196 = arith.mulf %get3A_191, %get3A_195 : vector<16xf32>
        %add3A_197 = arith.addf %scan3A_53, %mul3A_187 : vector<16xf32>
        %add3A_198 = arith.addf %add3A_197, %mul3A_196 : vector<16xf32>
        %mul3A_199 = arith.constant 8 : i32
        %mul3A_200 = arith.muli %scan3A_47, %mul3A_199 : i32
        %add3A_201 = arith.constant 6 : i32
        %add3A_202 = arith.addi %mul3A_200, %add3A_201 : i32
        %get3A_203 = arith.index_cast %add3A_202 : i32 to index
        %get3A_204 = arith.constant 0 : index
        %get3A_205 = tpu.vector_load %arg8[%get3A_203, %get3A_204] {strides = array<i32>} : memref<1000x32xf32, #tpu.memory_space<vmem>>, vector<1x16xf32>,
        %get3A_206 = vector.shape_cast %get3A_205 : vector<1x16xf32> to vector<16xf32>
        %get3A_207 = arith.index_cast %add3A_202 : i32 to index
        %get3A_208 = arith.constant 0 : index
        %get3A_209 = tpu.vector_load %arg9[%get3A_207, %get3A_208] {strides = array<i32>} : memref<1000x32xf32, #tpu.memory_space<vmem>>, vector<1x16xf32>,
        %get3A_210 = vector.shape_cast %get3A_209 : vector<1x16xf32> to vector<16xf32>
        %mul3A_211 = arith.mulf %get3A_206, %get3A_210 : vector<16xf32>
        %get3A_212 = arith.index_cast %add3A_202 : i32 to index
        %get3A_213 = arith.constant 16 : index
        %get3A_214 = tpu.vector_load %arg8[%get3A_212, %get3A_213] {strides = array<i32>} : memref<1000x32xf32, #tpu.memory_space<vmem>>, vector<1x16xf32>,
        %get3A_215 = vector.shape_cast %get3A_214 : vector<1x16xf32> to vector<16xf32>
        %get3A_216 = arith.index_cast %add3A_202 : i32 to index
        %get3A_217 = arith.constant 16 : index
        %get3A_218 = tpu.vector_load %arg9[%get3A_216, %get3A_217] {strides = array<i32>} : memref<1000x32xf32, #tpu.memory_space<vmem>>, vector<1x16xf32>,
        %get3A_219 = vector.shape_cast %get3A_218 : vector<1x16xf32> to vector<16xf32>
        %mul3A_220 = arith.mulf %get3A_215, %get3A_219 : vector<16xf32>
        %add3A_221 = arith.addf %scan3A_54, %mul3A_211 : vector<16xf32>
        %add3A_222 = arith.addf %add3A_221, %mul3A_220 : vector<16xf32>
        %mul3A_223 = arith.constant 8 : i32
        %mul3A_224 = arith.muli %scan3A_47, %mul3A_223 : i32
        %add3A_225 = arith.constant 7 : i32
        %add3A_226 = arith.addi %mul3A_224, %add3A_225 : i32
        %get3A_227 = arith.index_cast %add3A_226 : i32 to index
        %get3A_228 = arith.constant 0 : index
        %get3A_229 = tpu.vector_load %arg8[%get3A_227, %get3A_228] {strides = array<i32>} : memref<1000x32xf32, #tpu.memory_space<vmem>>, vector<1x16xf32>,
        %get3A_230 = vector.shape_cast %get3A_229 : vector<1x16xf32> to vector<16xf32>
        %get3A_231 = arith.index_cast %add3A_226 : i32 to index
        %get3A_232 = arith.constant 0 : index
        %get3A_233 = tpu.vector_load %arg9[%get3A_231, %get3A_232] {strides = array<i32>} : memref<1000x32xf32, #tpu.memory_space<vmem>>, vector<1x16xf32>,
        %get3A_234 = vector.shape_cast %get3A_233 : vector<1x16xf32> to vector<16xf32>
        %mul3A_235 = arith.mulf %get3A_230, %get3A_234 : vector<16xf32>
        %get3A_236 = arith.index_cast %add3A_226 : i32 to index
        %get3A_237 = arith.constant 16 : index
        %get3A_238 = tpu.vector_load %arg8[%get3A_236, %get3A_237] {strides = array<i32>} : memref<1000x32xf32, #tpu.memory_space<vmem>>, vector<1x16xf32>,
        %get3A_239 = vector.shape_cast %get3A_238 : vector<1x16xf32> to vector<16xf32>
        %get3A_240 = arith.index_cast %add3A_226 : i32 to index
        %get3A_241 = arith.constant 16 : index
        %get3A_242 = tpu.vector_load %arg9[%get3A_240, %get3A_241] {strides = array<i32>} : memref<1000x32xf32, #tpu.memory_space<vmem>>, vector<1x16xf32>,
        %get3A_243 = vector.shape_cast %get3A_242 : vector<1x16xf32> to vector<16xf32>
        %mul3A_244 = arith.mulf %get3A_239, %get3A_243 : vector<16xf32>
        %add3A_245 = arith.addf %scan3A_55, %mul3A_235 : vector<16xf32>
        %add3A_246 = arith.addf %add3A_245, %mul3A_244 : vector<16xf32>
        scf.yield %add3A_78, %add3A_102, %add3A_126, %add3A_150, %add3A_174, %add3A_198, %add3A_222, %add3A_246 : vector<16xf32>, vector<16xf32>, vector<16xf32>, vector<16xf32>, vector<16xf32>, vector<16xf32>, vector<16xf32>, vector<16xf32>
      }
      %scan3A_46 = arith.constant 125 : i32
      scf.yield %scan3A_45#0, %scan3A_45#1, %scan3A_45#2, %scan3A_45#3, %scan3A_45#4, %scan3A_45#5, %scan3A_45#6, %scan3A_45#7 : vector<16xf32>, vector<16xf32>, vector<16xf32>, vector<16xf32>, vector<16xf32>, vector<16xf32>, vector<16xf32>, vector<16xf32>
    }
    %scan3A_8 = arith.constant 50 : i32
    %add3A_9 = arith.addf %scan3A_7#0, %scan3A_7#1 : vector<16xf32>
    %add3A_10 = arith.addf %add3A_9, %scan3A_7#2 : vector<16xf32>
    %add3A_11 = arith.addf %add3A_10, %scan3A_7#3 : vector<16xf32>
    %add3A_12 = arith.addf %add3A_11, %scan3A_7#4 : vector<16xf32>
    %add3A_13 = arith.addf %add3A_12, %scan3A_7#5 : vector<16xf32>
    %add3A_14 = arith.addf %add3A_13, %scan3A_7#6 : vector<16xf32>
    %add3A_15 = arith.addf %add3A_14, %scan3A_7#7 : vector<16xf32>
    %swap3A = arith.constant 0 : index
    %swap3A_16 = tpu.vector_load %arg10[%swap3A] {strides = array<i32>} : memref<16xf32, #tpu.memory_space<vmem>>, vector<16xf32>,
    %swap3A_17 = vector.shape_cast %swap3A_16 : vector<16xf32> to vector<16xf32>
    %swap3A_18 = vector.shape_cast %add3A_15 : vector<16xf32> to vector<16xf32>
    tpu.vector_store %arg10[%swap3A], %swap3A_18 {strides = array<i32>} : memref<16xf32, #tpu.memory_space<vmem>>, vector<16xf32>,
    "tpu.region"() ({
      %run_scoped3A = tpu.sem_alloc : memref<!tpu.dma_semaphore, #tpu.memory_space<semaphore_mem>>
      %dma_start3A = arith.constant 0 : i32
      %dma_start3A_19 = tpu.memref_slice %arg5[%add3A, %dma_start3A] : memref<32x16xf32, #tpu.memory_space<hbm>> -> memref<1x16xf32, #tpu.memory_space<hbm>>
      %dma_start3A_20 = tpu.memref_squeeze %dma_start3A_19 : memref<1x16xf32, #tpu.memory_space<hbm>> -> memref<16xf32, #tpu.memory_space<hbm>>
      %dma_start3A_21 = arith.constant 0 : i32
      %dma_start3A_22 = tpu.memref_slice %arg5[%add3A, %dma_start3A_21] : memref<32x16xf32, #tpu.memory_space<hbm>> -> memref<1x16xf32, #tpu.memory_space<hbm>>
      %dma_start3A_23 = tpu.memref_squeeze %dma_start3A_22 : memref<1x16xf32, #tpu.memory_space<hbm>> -> memref<16xf32, #tpu.memory_space<hbm>>
      tpu.enqueue_dma source(%arg10 : memref<16xf32, #tpu.memory_space<vmem>>) target(%dma_start3A_23 : memref<16xf32, #tpu.memory_space<hbm>>) target_semaphore(%run_scoped3A : memref<!tpu.dma_semaphore, #tpu.memory_space<semaphore_mem>>)
      %dma_wait3A = arith.constant 0 : i32
      %dma_wait3A_24 = tpu.memref_slice %arg5[%add3A, %dma_wait3A] : memref<32x16xf32, #tpu.memory_space<hbm>> -> memref<1x16xf32, #tpu.memory_space<hbm>>
      %dma_wait3A_25 = tpu.memref_squeeze %dma_wait3A_24 : memref<1x16xf32, #tpu.memory_space<hbm>> -> memref<16xf32, #tpu.memory_space<hbm>>
      %dma_wait3A_26 = arith.constant 0 : i32
      %dma_wait3A_27 = tpu.memref_slice %arg5[%add3A, %dma_wait3A_26] : memref<32x16xf32, #tpu.memory_space<hbm>> -> memref<1x16xf32, #tpu.memory_space<hbm>>
      %dma_wait3A_28 = tpu.memref_squeeze %dma_wait3A_27 : memref<1x16xf32, #tpu.memory_space<hbm>> -> memref<16xf32, #tpu.memory_space<hbm>>
      tpu.wait_dma2 semaphore(%run_scoped3A : memref<!tpu.dma_semaphore, #tpu.memory_space<semaphore_mem>>) src(%arg10 : memref<16xf32, #tpu.memory_space<vmem>>) dst(%dma_wait3A_28 : memref<16xf32, #tpu.memory_space<hbm>>)
      tpu.yield
    }) : () -> ()
    return
  }
}

module attributes {stable_mosaic.version = 14 : i64} {
  func.func @_q_body(%arg0: i32, %arg1: memref<2000x128xf32, #tpu.memory_space<vmem>>, %arg2: memref<128x128xf32, #tpu.memory_space<vmem>>, %arg3: memref<32x128xf32, #tpu.memory_space<vmem>>, %arg4: memref<2000x32xf32, #tpu.memory_space<vmem>>, %arg5: memref<1x32xf32, #tpu.memory_space<vmem>>) attributes {dimension_semantics = [#tpu.dimension_semantics<arbitrary>], iteration_bounds = array<i64: 50>, scalar_prefetch = 0 : i64, scratch_operands = 0 : i64, tpu.core_type = #tpu.core_type<tc>, window_params = [{transform_indices = @transform_0, window_bounds = array<i64: 2000, 128>}, {pipeline_mode = #tpu.pipeline_mode<synchronous>, transform_indices = @transform_1, window_bounds = array<i64: 128, 128>}, {pipeline_mode = #tpu.pipeline_mode<synchronous>, transform_indices = @transform_2, window_bounds = array<i64: 32, 128>}, {transform_indices = @transform_3, window_bounds = array<i64: 2000, 32>}, {pipeline_mode = #tpu.pipeline_mode<synchronous>, transform_indices = @transform_4, window_bounds = array<i64: 1, 32>}]} {
    %get3A = arith.constant 0 : index
    %get3A_0 = arith.constant 0 : index
    %get3A_1 = vector.load %arg1[%get3A, %get3A_0] : memref<2000x128xf32, #tpu.memory_space<vmem>>, vector<2000x128xf32>
    %get3A_2 = arith.constant 0 : index
    %get3A_3 = arith.constant 0 : index
    %get3A_4 = vector.load %arg2[%get3A_2, %get3A_3] : memref<128x128xf32, #tpu.memory_space<vmem>>, vector<128x128xf32>
    %get3A_5 = arith.constant 0 : index
    %get3A_6 = arith.constant 0 : index
    %get3A_7 = vector.load %arg3[%get3A_5, %get3A_6] : memref<32x128xf32, #tpu.memory_space<vmem>>, vector<32x128xf32>
    %transpose3A = tpu.transpose %get3A_4, [1, 0] : vector<128x128xf32> -> vector<128x128xf32>
    %dot_general3A = arith.constant dense<0.000000e+00> : vector<2000x128xf32>
    %dot_general3A_8 = tpu.matmul %get3A_1, %transpose3A, %dot_general3A {dimension_numbers = #tpu.dot_dimension_numbers<[1], [0], [0], [1], [0, 0, 1, 1], [], []>, transpose_lhs_hint = false} : vector<2000x128xf32>, vector<128x128xf32>, vector<2000x128xf32> -> vector<2000x128xf32>
    %mul3A = arith.mulf %dot_general3A_8, %dot_general3A_8 : vector<2000x128xf32>
    %reduce_sum3A = arith.constant dense<0.000000e+00> : vector<2000xf32>
    %reduce_sum3A_9 = vector.multi_reduction <add>, %mul3A, %reduce_sum3A [1] : vector<2000x128xf32> to vector<2000xf32>
    %broadcast_in_dim3A = vector.shape_cast %reduce_sum3A_9 : vector<2000xf32> to vector<2000x1xf32>
    %sqrt3A = math.sqrt %broadcast_in_dim3A : vector<2000x1xf32>
    %max3A = arith.constant 9.99999993E-9 : f32
    %max3A_10 = vector.broadcast %max3A : f32 to vector<2000x1xf32>
    %max3A_11 = arith.maximumf %sqrt3A, %max3A_10 : vector<2000x1xf32>
    %div3A = vector.broadcast %max3A_11 : vector<2000x1xf32> to vector<2000x128xf32>
    %div3A_12 = arith.divf %dot_general3A_8, %div3A : vector<2000x128xf32>
    %mul3A_13 = arith.mulf %get3A_7, %get3A_7 : vector<32x128xf32>
    %reduce_sum3A_14 = arith.constant dense<0.000000e+00> : vector<32xf32>
    %reduce_sum3A_15 = vector.multi_reduction <add>, %mul3A_13, %reduce_sum3A_14 [1] : vector<32x128xf32> to vector<32xf32>
    %broadcast_in_dim3A_16 = vector.shape_cast %reduce_sum3A_15 : vector<32xf32> to vector<32x1xf32>
    %sqrt3A_17 = math.sqrt %broadcast_in_dim3A_16 : vector<32x1xf32>
    %max3A_18 = arith.constant 9.99999993E-9 : f32
    %max3A_19 = vector.broadcast %max3A_18 : f32 to vector<32x1xf32>
    %max3A_20 = arith.maximumf %sqrt3A_17, %max3A_19 : vector<32x1xf32>
    %div3A_21 = vector.broadcast %max3A_20 : vector<32x1xf32> to vector<32x128xf32>
    %div3A_22 = arith.divf %get3A_7, %div3A_21 : vector<32x128xf32>
    %transpose3A_23 = tpu.transpose %div3A_22, [1, 0] : vector<32x128xf32> -> vector<128x32xf32>
    %dot_general3A_24 = arith.constant dense<0.000000e+00> : vector<2000x32xf32>
    %dot_general3A_25 = tpu.matmul %div3A_12, %transpose3A_23, %dot_general3A_24 {dimension_numbers = #tpu.dot_dimension_numbers<[1], [0], [0], [1], [0, 0, 1, 1], [], []>, transpose_lhs_hint = false} : vector<2000x128xf32>, vector<128x32xf32>, vector<2000x32xf32> -> vector<2000x32xf32>
    %div3A_26 = arith.constant 1.000000e+00 : f32
    %div3A_27 = vector.broadcast %div3A_26 : f32 to vector<2000x32xf32>
    %div3A_28 = arith.divf %dot_general3A_25, %div3A_27 : vector<2000x32xf32>
    %reduce_max3A = arith.constant dense<0xFF800000> : vector<2000xf32>
    %reduce_max3A_29 = vector.multi_reduction <maximumf>, %div3A_28, %reduce_max3A [1] : vector<2000x32xf32> to vector<2000xf32>
    %broadcast_in_dim3A_30 = vector.shape_cast %reduce_max3A_29 : vector<2000xf32> to vector<2000x1xf32>
    %sub3A = vector.broadcast %broadcast_in_dim3A_30 : vector<2000x1xf32> to vector<2000x32xf32>
    %sub3A_31 = arith.subf %div3A_28, %sub3A : vector<2000x32xf32>
    %exp3A = math.exp %sub3A_31 : vector<2000x32xf32>
    %reduce_sum3A_32 = arith.constant dense<0.000000e+00> : vector<2000xf32>
    %reduce_sum3A_33 = vector.multi_reduction <add>, %exp3A, %reduce_sum3A_32 [1] : vector<2000x32xf32> to vector<2000xf32>
    %broadcast_in_dim3A_34 = vector.shape_cast %reduce_sum3A_33 : vector<2000xf32> to vector<2000x1xf32>
    %div3A_35 = vector.broadcast %broadcast_in_dim3A_34 : vector<2000x1xf32> to vector<2000x32xf32>
    %div3A_36 = arith.divf %exp3A, %div3A_35 : vector<2000x32xf32>
    %swap3A = arith.constant 0 : index
    %swap3A_37 = arith.constant 0 : index
    %swap3A_38 = vector.load %arg4[%swap3A, %swap3A_37] : memref<2000x32xf32, #tpu.memory_space<vmem>>, vector<2000x32xf32>
    tpu.vector_store %arg4[%swap3A, %swap3A_37], %div3A_36 {strides = array<i32>} : memref<2000x32xf32, #tpu.memory_space<vmem>>, vector<2000x32xf32>,
    %mul3A_39 = arith.constant 2.000000e+01 : f32
    %mul3A_40 = vector.broadcast %mul3A_39 : f32 to vector<2000x32xf32>
    %mul3A_41 = arith.mulf %mul3A_40, %div3A_36 : vector<2000x32xf32>
    %exp3A_42 = math.exp %mul3A_41 : vector<2000x32xf32>
    %reduce_sum3A_43 = arith.constant dense<0.000000e+00> : vector<32xf32>
    %reduce_sum3A_44 = vector.multi_reduction <add>, %exp3A_42, %reduce_sum3A_43 [0] : vector<2000x32xf32> to vector<32xf32>
    %broadcast_in_dim3A_45 = vector.shape_cast %reduce_sum3A_44 : vector<32xf32> to vector<1x32xf32>
    %eq3A = arith.constant 0 : i32
    %eq3A_46 = arith.cmpi eq, %arg0, %eq3A : i32
    %convert_element_type3A = arith.extui %eq3A_46 : i1 to i32
    %cond3A = arith.constant 0 : i32
    %cond3A_47 = arith.cmpi ne, %convert_element_type3A, %cond3A : i32
    scf.if %cond3A_47 {
      %swap3A_52 = arith.constant 0 : index
      %swap3A_53 = arith.constant 0 : index
      %swap3A_54 = vector.load %arg5[%swap3A_52, %swap3A_53] : memref<1x32xf32, #tpu.memory_space<vmem>>, vector<1x32xf32>
      tpu.vector_store %arg5[%swap3A_52, %swap3A_53], %broadcast_in_dim3A_45 {strides = array<i32>} : memref<1x32xf32, #tpu.memory_space<vmem>>, vector<1x32xf32>,
    } else {
    }
    %ne3A = arith.constant 0 : i32
    %ne3A_48 = arith.cmpi ne, %arg0, %ne3A : i32
    %convert_element_type3A_49 = arith.extui %ne3A_48 : i1 to i32
    %cond3A_50 = arith.constant 0 : i32
    %cond3A_51 = arith.cmpi ne, %convert_element_type3A_49, %cond3A_50 : i32
    scf.if %cond3A_51 {
      %get3A_52 = arith.constant 0 : index
      %get3A_53 = arith.constant 0 : index
      %get3A_54 = vector.load %arg5[%get3A_52, %get3A_53] : memref<1x32xf32, #tpu.memory_space<vmem>>, vector<1x32xf32>
      %add3A = arith.addf %get3A_54, %broadcast_in_dim3A_45 : vector<1x32xf32>
      %swap3A_55 = arith.constant 0 : index
      %swap3A_56 = arith.constant 0 : index
      %swap3A_57 = vector.load %arg5[%swap3A_55, %swap3A_56] : memref<1x32xf32, #tpu.memory_space<vmem>>, vector<1x32xf32>
      tpu.vector_store %arg5[%swap3A_55, %swap3A_56], %add3A {strides = array<i32>} : memref<1x32xf32, #tpu.memory_space<vmem>>, vector<1x32xf32>,
    } else {
    }
    return
  }
  func.func @transform_0(%arg0: i32) -> (i32, i32) {
    %c0_i32 = arith.constant 0 : i32
    %c0_i32_0 = arith.constant 0 : i32
    return %arg0, %c0_i32 : i32, i32
  }
  func.func @transform_1(%arg0: i32) -> (i32, i32) {
    %c0_i32 = arith.constant 0 : i32
    %c0_i32_0 = arith.constant 0 : i32
    %c0_i32_1 = arith.constant 0 : i32
    return %c0_i32, %c0_i32_0 : i32, i32
  }
  func.func @transform_2(%arg0: i32) -> (i32, i32) {
    %c0_i32 = arith.constant 0 : i32
    %c0_i32_0 = arith.constant 0 : i32
    %c0_i32_1 = arith.constant 0 : i32
    return %c0_i32, %c0_i32_0 : i32, i32
  }
  func.func @transform_3(%arg0: i32) -> (i32, i32) {
    %c0_i32 = arith.constant 0 : i32
    %c0_i32_0 = arith.constant 0 : i32
    return %arg0, %c0_i32 : i32, i32
  }
  func.func @transform_4(%arg0: i32) -> (i32, i32) {
    %c0_i32 = arith.constant 0 : i32
    %c0_i32_0 = arith.constant 0 : i32
    %c0_i32_1 = arith.constant 0 : i32
    return %c0_i32, %c0_i32_0 : i32, i32
  }
}

module attributes {stable_mosaic.version = 14 : i64} {
  func.func @_sink_body(%arg0: i32, %arg1: i32, %arg2: memref<1x32xf32, #tpu.memory_space<vmem>>, %arg3: memref<2000x32xf32, #tpu.memory_space<vmem>>, %arg4: memref<1x32xf32, #tpu.memory_space<vmem>>, %arg5: memref<1x32xf32, #tpu.memory_space<vmem>>, %arg6: memref<1x32xf32, #tpu.memory_space<vmem>>) attributes {dimension_semantics = [#tpu.dimension_semantics<arbitrary>, #tpu.dimension_semantics<arbitrary>], iteration_bounds = array<i64: 4, 50>, scalar_prefetch = 0 : i64, scratch_operands = 2 : i64, tpu.core_type = #tpu.core_type<tc>, window_params = [{pipeline_mode = #tpu.pipeline_mode<synchronous>, transform_indices = @transform_0, window_bounds = array<i64: 1, 32>}, {transform_indices = @transform_1, window_bounds = array<i64: 2000, 32>}, {pipeline_mode = #tpu.pipeline_mode<synchronous>, transform_indices = @transform_2, window_bounds = array<i64: 1, 32>}]} {
    %eq3A = arith.constant 0 : i32
    %eq3A_0 = arith.cmpi eq, %arg1, %eq3A : i32
    %convert_element_type3A = arith.extui %eq3A_0 : i1 to i32
    %cond3A = arith.constant 0 : i32
    %cond3A_1 = arith.cmpi ne, %convert_element_type3A, %cond3A : i32
    scf.if %cond3A_1 {
      %eq3A_31 = arith.constant 0 : i32
      %eq3A_32 = arith.cmpi eq, %arg0, %eq3A_31 : i32
      %convert_element_type3A_33 = arith.extui %eq3A_32 : i1 to i32
      %cond3A_34 = arith.constant 0 : i32
      %cond3A_35 = arith.cmpi ne, %convert_element_type3A_33, %cond3A_34 : i32
      scf.if %cond3A_35 {
        %get3A_45 = arith.constant 0 : index
        %get3A_46 = arith.constant 0 : index
        %get3A_47 = vector.load %arg2[%get3A_45, %get3A_46] : memref<1x32xf32, #tpu.memory_space<vmem>>, vector<1x32xf32>
        %div3A_48 = arith.constant 3.125000e-02 : f32
        %div3A_49 = vector.broadcast %div3A_48 : f32 to vector<1x32xf32>
        %div3A_50 = arith.divf %div3A_49, %get3A_47 : vector<1x32xf32>
        %swap3A_51 = arith.constant 0 : index
        %swap3A_52 = arith.constant 0 : index
        %swap3A_53 = vector.load %arg5[%swap3A_51, %swap3A_52] : memref<1x32xf32, #tpu.memory_space<vmem>>, vector<1x32xf32>
        tpu.vector_store %arg5[%swap3A_51, %swap3A_52], %div3A_50 {strides = array<i32>} : memref<1x32xf32, #tpu.memory_space<vmem>>, vector<1x32xf32>,
      } else {
      }
      %ne3A = arith.constant 0 : i32
      %ne3A_36 = arith.cmpi ne, %arg0, %ne3A : i32
      %convert_element_type3A_37 = arith.extui %ne3A_36 : i1 to i32
      %cond3A_38 = arith.constant 0 : i32
      %cond3A_39 = arith.cmpi ne, %convert_element_type3A_37, %cond3A_38 : i32
      scf.if %cond3A_39 {
        %get3A_45 = arith.constant 0 : index
        %get3A_46 = arith.constant 0 : index
        %get3A_47 = vector.load %arg6[%get3A_45, %get3A_46] : memref<1x32xf32, #tpu.memory_space<vmem>>, vector<1x32xf32>
        %div3A_48 = arith.constant 3.125000e-02 : f32
        %div3A_49 = vector.broadcast %div3A_48 : f32 to vector<1x32xf32>
        %div3A_50 = arith.divf %div3A_49, %get3A_47 : vector<1x32xf32>
        %swap3A_51 = arith.constant 0 : index
        %swap3A_52 = arith.constant 0 : index
        %swap3A_53 = vector.load %arg5[%swap3A_51, %swap3A_52] : memref<1x32xf32, #tpu.memory_space<vmem>>, vector<1x32xf32>
        tpu.vector_store %arg5[%swap3A_51, %swap3A_52], %div3A_50 {strides = array<i32>} : memref<1x32xf32, #tpu.memory_space<vmem>>, vector<1x32xf32>,
      } else {
      }
      %broadcast_in_dim3A_40 = arith.constant 0.000000e+00 : f32
      %broadcast_in_dim3A_41 = vector.broadcast %broadcast_in_dim3A_40 : f32 to vector<1x32xf32>
      %swap3A_42 = arith.constant 0 : index
      %swap3A_43 = arith.constant 0 : index
      %swap3A_44 = vector.load %arg6[%swap3A_42, %swap3A_43] : memref<1x32xf32, #tpu.memory_space<vmem>>, vector<1x32xf32>
      tpu.vector_store %arg6[%swap3A_42, %swap3A_43], %broadcast_in_dim3A_41 {strides = array<i32>} : memref<1x32xf32, #tpu.memory_space<vmem>>, vector<1x32xf32>,
    } else {
    }
    %get3A = arith.constant 0 : index
    %get3A_2 = arith.constant 0 : index
    %get3A_3 = vector.load %arg3[%get3A, %get3A_2] : memref<2000x32xf32, #tpu.memory_space<vmem>>, vector<2000x32xf32>
    %mul3A = arith.constant 2.000000e+01 : f32
    %mul3A_4 = vector.broadcast %mul3A : f32 to vector<2000x32xf32>
    %mul3A_5 = arith.mulf %mul3A_4, %get3A_3 : vector<2000x32xf32>
    %exp3A = math.exp %mul3A_5 : vector<2000x32xf32>
    %get3A_6 = arith.constant 0 : index
    %get3A_7 = arith.constant 0 : index
    %get3A_8 = vector.load %arg5[%get3A_6, %get3A_7] : memref<1x32xf32, #tpu.memory_space<vmem>>, vector<1x32xf32>
    %mul3A_9 = vector.broadcast %get3A_8 : vector<1x32xf32> to vector<2000x32xf32>
    %mul3A_10 = arith.mulf %exp3A, %mul3A_9 : vector<2000x32xf32>
    %reduce_sum3A = arith.constant dense<0.000000e+00> : vector<2000xf32>
    %reduce_sum3A_11 = vector.multi_reduction <add>, %mul3A_10, %reduce_sum3A [1] : vector<2000x32xf32> to vector<2000xf32>
    %broadcast_in_dim3A = vector.shape_cast %reduce_sum3A_11 : vector<2000xf32> to vector<2000x1xf32>
    %div3A = arith.constant 9.99999974E-6 : f32
    %div3A_12 = vector.broadcast %div3A : f32 to vector<2000x1xf32>
    %div3A_13 = arith.divf %div3A_12, %broadcast_in_dim3A : vector<2000x1xf32>
    %get3A_14 = arith.constant 0 : index
    %get3A_15 = arith.constant 0 : index
    %get3A_16 = vector.load %arg6[%get3A_14, %get3A_15] : memref<1x32xf32, #tpu.memory_space<vmem>>, vector<1x32xf32>
    %mul3A_17 = vector.broadcast %div3A_13 : vector<2000x1xf32> to vector<2000x32xf32>
    %mul3A_18 = arith.mulf %exp3A, %mul3A_17 : vector<2000x32xf32>
    %reduce_sum3A_19 = arith.constant dense<0.000000e+00> : vector<32xf32>
    %reduce_sum3A_20 = vector.multi_reduction <add>, %mul3A_18, %reduce_sum3A_19 [0] : vector<2000x32xf32> to vector<32xf32>
    %broadcast_in_dim3A_21 = vector.shape_cast %reduce_sum3A_20 : vector<32xf32> to vector<1x32xf32>
    %add3A = arith.addf %get3A_16, %broadcast_in_dim3A_21 : vector<1x32xf32>
    %swap3A = arith.constant 0 : index
    %swap3A_22 = arith.constant 0 : index
    %swap3A_23 = vector.load %arg6[%swap3A, %swap3A_22] : memref<1x32xf32, #tpu.memory_space<vmem>>, vector<1x32xf32>
    tpu.vector_store %arg6[%swap3A, %swap3A_22], %add3A {strides = array<i32>} : memref<1x32xf32, #tpu.memory_space<vmem>>, vector<1x32xf32>,
    %eq3A_24 = arith.constant 3 : i32
    %eq3A_25 = arith.cmpi eq, %arg0, %eq3A_24 : i32
    %eq3A_26 = arith.constant 49 : i32
    %eq3A_27 = arith.cmpi eq, %arg1, %eq3A_26 : i32
    %and3A = arith.andi %eq3A_25, %eq3A_27 : i1
    %convert_element_type3A_28 = arith.extui %and3A : i1 to i32
    %cond3A_29 = arith.constant 0 : i32
    %cond3A_30 = arith.cmpi ne, %convert_element_type3A_28, %cond3A_29 : i32
    scf.if %cond3A_30 {
      %get3A_31 = arith.constant 0 : index
      %get3A_32 = arith.constant 0 : index
      %get3A_33 = vector.load %arg6[%get3A_31, %get3A_32] : memref<1x32xf32, #tpu.memory_space<vmem>>, vector<1x32xf32>
      %div3A_34 = arith.constant 3.125000e-02 : f32
      %div3A_35 = vector.broadcast %div3A_34 : f32 to vector<1x32xf32>
      %div3A_36 = arith.divf %div3A_35, %get3A_33 : vector<1x32xf32>
      %swap3A_37 = arith.constant 0 : index
      %swap3A_38 = arith.constant 0 : index
      %swap3A_39 = vector.load %arg4[%swap3A_37, %swap3A_38] : memref<1x32xf32, #tpu.memory_space<vmem>>, vector<1x32xf32>
      tpu.vector_store %arg4[%swap3A_37, %swap3A_38], %div3A_36 {strides = array<i32>} : memref<1x32xf32, #tpu.memory_space<vmem>>, vector<1x32xf32>,
    } else {
    }
    return
  }
  func.func @transform_0(%arg0: i32, %arg1: i32) -> (i32, i32) {
    %c0_i32 = arith.constant 0 : i32
    %c0_i32_0 = arith.constant 0 : i32
    %c0_i32_1 = arith.constant 0 : i32
    return %c0_i32, %c0_i32_0 : i32, i32
  }
  func.func @transform_1(%arg0: i32, %arg1: i32) -> (i32, i32) {
    %c0_i32 = arith.constant 0 : i32
    %c0_i32_0 = arith.constant 0 : i32
    return %arg1, %c0_i32 : i32, i32
  }
  func.func @transform_2(%arg0: i32, %arg1: i32) -> (i32, i32) {
    %c0_i32 = arith.constant 0 : i32
    %c0_i32_0 = arith.constant 0 : i32
    %c0_i32_1 = arith.constant 0 : i32
    return %c0_i32, %c0_i32_0 : i32, i32
  }
}

module attributes {stable_mosaic.version = 14 : i64} {
  func.func @_pool_body(%arg0: i32, %arg1: memref<2000x32xf32, #tpu.memory_space<vmem>>, %arg2: memref<2000x128xf32, #tpu.memory_space<vmem>>, %arg3: memref<1x32xf32, #tpu.memory_space<vmem>>, %arg4: memref<32x128xf32, #tpu.memory_space<vmem>>, %arg5: memref<1x32xf32, #tpu.memory_space<vmem>>, %arg6: memref<1x1xf32, #tpu.memory_space<vmem>>) attributes {dimension_semantics = [#tpu.dimension_semantics<arbitrary>], iteration_bounds = array<i64: 50>, scalar_prefetch = 0 : i64, scratch_operands = 0 : i64, tpu.core_type = #tpu.core_type<tc>, window_params = [{transform_indices = @transform_0, window_bounds = array<i64: 2000, 32>}, {transform_indices = @transform_1, window_bounds = array<i64: 2000, 128>}, {pipeline_mode = #tpu.pipeline_mode<synchronous>, transform_indices = @transform_2, window_bounds = array<i64: 1, 32>}, {pipeline_mode = #tpu.pipeline_mode<synchronous>, transform_indices = @transform_3, window_bounds = array<i64: 32, 128>}, {pipeline_mode = #tpu.pipeline_mode<synchronous>, transform_indices = @transform_4, window_bounds = array<i64: 1, 32>}, {pipeline_mode = #tpu.pipeline_mode<synchronous>, transform_indices = @transform_5, window_bounds = array<i64: 1, 1>}]} {
    %get3A = arith.constant 0 : index
    %get3A_0 = arith.constant 0 : index
    %get3A_1 = vector.load %arg1[%get3A, %get3A_0] : memref<2000x32xf32, #tpu.memory_space<vmem>>, vector<2000x32xf32>
    %get3A_2 = arith.constant 0 : index
    %get3A_3 = arith.constant 0 : index
    %get3A_4 = vector.load %arg2[%get3A_2, %get3A_3] : memref<2000x128xf32, #tpu.memory_space<vmem>>, vector<2000x128xf32>
    %get3A_5 = arith.constant 0 : index
    %get3A_6 = arith.constant 0 : index
    %get3A_7 = vector.load %arg3[%get3A_5, %get3A_6] : memref<1x32xf32, #tpu.memory_space<vmem>>, vector<1x32xf32>
    %mul3A = arith.constant 2.000000e+01 : f32
    %mul3A_8 = vector.broadcast %mul3A : f32 to vector<2000x32xf32>
    %mul3A_9 = arith.mulf %mul3A_8, %get3A_1 : vector<2000x32xf32>
    %log3A = math.log %get3A_7 : vector<1x32xf32>
    %add3A = vector.broadcast %log3A : vector<1x32xf32> to vector<2000x32xf32>
    %add3A_10 = arith.addf %mul3A_9, %add3A : vector<2000x32xf32>
    %iota3A = tpu.iota {dimensions = array<i32: 1>} : vector<1x32xi32>
    %reduce_max3A = arith.constant dense<0xFF800000> : vector<2000xf32>
    %reduce_max3A_11 = vector.multi_reduction <maximumf>, %add3A_10, %reduce_max3A [1] : vector<2000x32xf32> to vector<2000xf32>
    %broadcast_in_dim3A = vector.shape_cast %reduce_max3A_11 : vector<2000xf32> to vector<2000x1xf32>
    %ge3A = vector.broadcast %broadcast_in_dim3A : vector<2000x1xf32> to vector<2000x32xf32>
    %ge3A_12 = arith.cmpf oge, %add3A_10, %ge3A : vector<2000x32xf32>
    %jit3A = arith.constant 32 : i32
    %broadcast_in_dim3A_13 = vector.shape_cast %iota3A : vector<1x32xi32> to vector<1x32xi32>
    %broadcast_in_dim3A_14 = vector.broadcast %broadcast_in_dim3A_13 : vector<1x32xi32> to vector<2000x32xi32>
    %broadcast_in_dim3A_15 = vector.broadcast %jit3A : i32 to vector<2000x32xi32>
    %select_n3A = arith.select %ge3A_12, %broadcast_in_dim3A_14, %broadcast_in_dim3A_15 : vector<2000x32xi1>, vector<2000x32xi32>
    %reduce_min3A = arith.constant dense<2147483647> : vector<2000xi32>
    %reduce_min3A_16 = vector.multi_reduction <minsi>, %select_n3A, %reduce_min3A [1] : vector<2000x32xi32> to vector<2000xi32>
    %broadcast_in_dim3A_17 = vector.shape_cast %reduce_min3A_16 : vector<2000xi32> to vector<2000x1xi32>
    %eq3A = vector.broadcast %iota3A : vector<1x32xi32> to vector<2000x32xi32>
    %eq3A_18 = vector.broadcast %broadcast_in_dim3A_17 : vector<2000x1xi32> to vector<2000x32xi32>
    %eq3A_19 = arith.cmpi eq, %eq3A, %eq3A_18 : vector<2000x32xi32>
    %convert_element_type3A = arith.extui %eq3A_19 : vector<2000x32xi1> to vector<2000x32xi32>
    %convert_element_type3A_20 = arith.sitofp %convert_element_type3A : vector<2000x32xi32> to vector<2000x32xf32>
    %dot_general3A = arith.constant dense<0.000000e+00> : vector<32x128xf32>
    %dot_general3A_21 = tpu.matmul %convert_element_type3A_20, %get3A_4, %dot_general3A {dimension_numbers = #tpu.dot_dimension_numbers<[0], [0], [1], [1], [0, 1, 1, 1], [], []>, transpose_lhs_hint = false} : vector<2000x32xf32>, vector<2000x128xf32>, vector<32x128xf32> -> vector<32x128xf32>
    %reduce_sum3A = arith.constant dense<0.000000e+00> : vector<32xf32>
    %reduce_sum3A_22 = vector.multi_reduction <add>, %convert_element_type3A_20, %reduce_sum3A [0] : vector<2000x32xf32> to vector<32xf32>
    %broadcast_in_dim3A_23 = vector.shape_cast %reduce_sum3A_22 : vector<32xf32> to vector<1x32xf32>
    %mul3A_24 = arith.mulf %convert_element_type3A_20, %get3A_1 : vector<2000x32xf32>
    %reduce_sum3A_25 = arith.constant dense<0.000000e+00> : vector<2000xf32>
    %reduce_sum3A_26 = vector.multi_reduction <add>, %mul3A_24, %reduce_sum3A_25 [1] : vector<2000x32xf32> to vector<2000xf32>
    %broadcast_in_dim3A_27 = vector.shape_cast %reduce_sum3A_26 : vector<2000xf32> to vector<2000x1xf32>
    %add3A_28 = arith.constant 9.99999996E-13 : f32
    %add3A_29 = vector.broadcast %add3A_28 : f32 to vector<2000x1xf32>
    %add3A_30 = arith.addf %broadcast_in_dim3A_27, %add3A_29 : vector<2000x1xf32>
    %log3A_31 = math.log %add3A_30 : vector<2000x1xf32>
    %reduce_sum3A_32 = vector.shape_cast %log3A_31 : vector<2000x1xf32> to vector<1x2000x1xf32>
    %reduce_sum3A_33 = arith.constant dense<0.000000e+00> : vector<1xf32>
    %reduce_sum3A_34 = vector.multi_reduction <add>, %reduce_sum3A_32, %reduce_sum3A_33 [1, 2] : vector<1x2000x1xf32> to vector<1xf32>
    %reduce_sum3A_35 = vector.shape_cast %reduce_sum3A_34 : vector<1xf32> to vector<1x1x1xf32>
    %reduce_sum3A_36 = vector.extract %reduce_sum3A_35[0, 0, 0] : f32 from vector<1x1x1xf32>
    %reshape3A = vector.broadcast %reduce_sum3A_36 : f32 to vector<1x1xf32>
    %eq3A_37 = arith.constant 0 : i32
    %eq3A_38 = arith.cmpi eq, %arg0, %eq3A_37 : i32
    %convert_element_type3A_39 = arith.extui %eq3A_38 : i1 to i32
    %cond3A = arith.constant 0 : i32
    %cond3A_40 = arith.cmpi ne, %convert_element_type3A_39, %cond3A : i32
    scf.if %cond3A_40 {
      %swap3A = arith.constant 0 : index
      %swap3A_45 = arith.constant 0 : index
      %swap3A_46 = vector.load %arg4[%swap3A, %swap3A_45] : memref<32x128xf32, #tpu.memory_space<vmem>>, vector<32x128xf32>
      tpu.vector_store %arg4[%swap3A, %swap3A_45], %dot_general3A_21 {strides = array<i32>} : memref<32x128xf32, #tpu.memory_space<vmem>>, vector<32x128xf32>,
      %swap3A_47 = arith.constant 0 : index
      %swap3A_48 = arith.constant 0 : index
      %swap3A_49 = vector.load %arg5[%swap3A_47, %swap3A_48] : memref<1x32xf32, #tpu.memory_space<vmem>>, vector<1x32xf32>
      tpu.vector_store %arg5[%swap3A_47, %swap3A_48], %broadcast_in_dim3A_23 {strides = array<i32>} : memref<1x32xf32, #tpu.memory_space<vmem>>, vector<1x32xf32>,
      %swap3A_50 = arith.constant 0 : index
      %swap3A_51 = arith.constant 0 : index
      %swap3A_52 = vector.load %arg6[%swap3A_50, %swap3A_51] : memref<1x1xf32, #tpu.memory_space<vmem>>, vector<1x1xf32>
      tpu.vector_store %arg6[%swap3A_50, %swap3A_51], %reshape3A {strides = array<i32>} : memref<1x1xf32, #tpu.memory_space<vmem>>, vector<1x1xf32>,
    } else {
    }
    %ne3A = arith.constant 0 : i32
    %ne3A_41 = arith.cmpi ne, %arg0, %ne3A : i32
    %convert_element_type3A_42 = arith.extui %ne3A_41 : i1 to i32
    %cond3A_43 = arith.constant 0 : i32
    %cond3A_44 = arith.cmpi ne, %convert_element_type3A_42, %cond3A_43 : i32
    scf.if %cond3A_44 {
      %get3A_45 = arith.constant 0 : index
      %get3A_46 = arith.constant 0 : index
      %get3A_47 = vector.load %arg4[%get3A_45, %get3A_46] : memref<32x128xf32, #tpu.memory_space<vmem>>, vector<32x128xf32>
      %add3A_48 = arith.addf %get3A_47, %dot_general3A_21 : vector<32x128xf32>
      %swap3A = arith.constant 0 : index
      %swap3A_49 = arith.constant 0 : index
      %swap3A_50 = vector.load %arg4[%swap3A, %swap3A_49] : memref<32x128xf32, #tpu.memory_space<vmem>>, vector<32x128xf32>
      tpu.vector_store %arg4[%swap3A, %swap3A_49], %add3A_48 {strides = array<i32>} : memref<32x128xf32, #tpu.memory_space<vmem>>, vector<32x128xf32>,
      %get3A_51 = arith.constant 0 : index
      %get3A_52 = arith.constant 0 : index
      %get3A_53 = vector.load %arg5[%get3A_51, %get3A_52] : memref<1x32xf32, #tpu.memory_space<vmem>>, vector<1x32xf32>
      %add3A_54 = arith.addf %get3A_53, %broadcast_in_dim3A_23 : vector<1x32xf32>
      %swap3A_55 = arith.constant 0 : index
      %swap3A_56 = arith.constant 0 : index
      %swap3A_57 = vector.load %arg5[%swap3A_55, %swap3A_56] : memref<1x32xf32, #tpu.memory_space<vmem>>, vector<1x32xf32>
      tpu.vector_store %arg5[%swap3A_55, %swap3A_56], %add3A_54 {strides = array<i32>} : memref<1x32xf32, #tpu.memory_space<vmem>>, vector<1x32xf32>,
      %get3A_58 = arith.constant 0 : index
      %get3A_59 = arith.constant 0 : index
      %get3A_60 = vector.load %arg6[%get3A_58, %get3A_59] : memref<1x1xf32, #tpu.memory_space<vmem>>, vector<1x1xf32>
      %add3A_61 = arith.addf %get3A_60, %reshape3A : vector<1x1xf32>
      %swap3A_62 = arith.constant 0 : index
      %swap3A_63 = arith.constant 0 : index
      %swap3A_64 = vector.load %arg6[%swap3A_62, %swap3A_63] : memref<1x1xf32, #tpu.memory_space<vmem>>, vector<1x1xf32>
      tpu.vector_store %arg6[%swap3A_62, %swap3A_63], %add3A_61 {strides = array<i32>} : memref<1x1xf32, #tpu.memory_space<vmem>>, vector<1x1xf32>,
    } else {
    }
    return
  }
  func.func @transform_0(%arg0: i32) -> (i32, i32) {
    %c0_i32 = arith.constant 0 : i32
    %c0_i32_0 = arith.constant 0 : i32
    return %arg0, %c0_i32 : i32, i32
  }
  func.func @transform_1(%arg0: i32) -> (i32, i32) {
    %c0_i32 = arith.constant 0 : i32
    %c0_i32_0 = arith.constant 0 : i32
    return %arg0, %c0_i32 : i32, i32
  }
  func.func @transform_2(%arg0: i32) -> (i32, i32) {
    %c0_i32 = arith.constant 0 : i32
    %c0_i32_0 = arith.constant 0 : i32
    %c0_i32_1 = arith.constant 0 : i32
    return %c0_i32, %c0_i32_0 : i32, i32
  }
  func.func @transform_3(%arg0: i32) -> (i32, i32) {
    %c0_i32 = arith.constant 0 : i32
    %c0_i32_0 = arith.constant 0 : i32
    %c0_i32_1 = arith.constant 0 : i32
    return %c0_i32, %c0_i32_0 : i32, i32
  }
  func.func @transform_4(%arg0: i32) -> (i32, i32) {
    %c0_i32 = arith.constant 0 : i32
    %c0_i32_0 = arith.constant 0 : i32
    %c0_i32_1 = arith.constant 0 : i32
    return %c0_i32, %c0_i32_0 : i32, i32
  }
  func.func @transform_5(%arg0: i32) -> (i32, i32) {
    %c0_i32 = arith.constant 0 : i32
    %c0_i32_0 = arith.constant 0 : i32
    %c0_i32_1 = arith.constant 0 : i32
    return %c0_i32, %c0_i32_0 : i32, i32
  }
}

module attributes {stable_mosaic.version = 14 : i64} {
  func.func @_final_body(%arg0: memref<32x128xf32, #tpu.memory_space<vmem>>, %arg1: memref<1x32xf32, #tpu.memory_space<vmem>>, %arg2: memref<1x1xf32, #tpu.memory_space<vmem>>, %arg3: memref<32x16xf32, #tpu.memory_space<vmem>>, %arg4: memref<128x128xf32, #tpu.memory_space<vmem>>, %arg5: memref<32x128xf32, #tpu.memory_space<vmem>>, %arg6: memref<1x1xf32, #tpu.memory_space<vmem>>) attributes {dimension_semantics = [], scalar_prefetch = 0 : i64, scratch_operands = 0 : i64, tpu.core_type = #tpu.core_type<tc>} {
    %get3A = arith.constant 0 : index
    %get3A_0 = arith.constant 0 : index
    %get3A_1 = vector.load %arg1[%get3A, %get3A_0] : memref<1x32xf32, #tpu.memory_space<vmem>>, vector<1x32xf32>
    %max3A = arith.constant 1.000000e+00 : f32
    %max3A_2 = vector.broadcast %max3A : f32 to vector<1x32xf32>
    %max3A_3 = arith.maximumf %get3A_1, %max3A_2 : vector<1x32xf32>
    %iota3A = tpu.iota {dimensions = array<i32: 0>} : vector<32x32xi32>
    %iota3A_4 = tpu.iota {dimensions = array<i32: 1>} : vector<32x32xi32>
    %eq3A = arith.cmpi eq, %iota3A, %iota3A_4 : vector<32x32xi32>
    %convert_element_type3A = arith.extui %eq3A : vector<32x32xi1> to vector<32x32xi32>
    %convert_element_type3A_5 = arith.sitofp %convert_element_type3A : vector<32x32xi32> to vector<32x32xf32>
    %div3A = arith.constant 1.000000e+00 : f32
    %div3A_6 = vector.broadcast %div3A : f32 to vector<1x32xf32>
    %div3A_7 = arith.divf %div3A_6, %max3A_3 : vector<1x32xf32>
    %mul3A = vector.broadcast %div3A_7 : vector<1x32xf32> to vector<32x32xf32>
    %mul3A_8 = arith.mulf %convert_element_type3A_5, %mul3A : vector<32x32xf32>
    %get3A_9 = arith.constant 0 : index
    %get3A_10 = arith.constant 0 : index
    %get3A_11 = vector.load %arg0[%get3A_9, %get3A_10] : memref<32x128xf32, #tpu.memory_space<vmem>>, vector<32x128xf32>
    %dot_general3A = arith.constant dense<0.000000e+00> : vector<32x128xf32>
    %dot_general3A_12 = tpu.matmul %mul3A_8, %get3A_11, %dot_general3A {dimension_numbers = #tpu.dot_dimension_numbers<[1], [0], [0], [1], [0, 0, 1, 1], [], []>, transpose_lhs_hint = false} : vector<32x32xf32>, vector<32x128xf32>, vector<32x128xf32> -> vector<32x128xf32>
    %get3A_13 = arith.constant 0 : index
    %get3A_14 = arith.constant 0 : index
    %get3A_15 = vector.load %arg4[%get3A_13, %get3A_14] : memref<128x128xf32, #tpu.memory_space<vmem>>, vector<128x128xf32>
    %transpose3A = tpu.transpose %get3A_15, [1, 0] : vector<128x128xf32> -> vector<128x128xf32>
    %dot_general3A_16 = arith.constant dense<0.000000e+00> : vector<32x128xf32>
    %dot_general3A_17 = tpu.matmul %dot_general3A_12, %transpose3A, %dot_general3A_16 {dimension_numbers = #tpu.dot_dimension_numbers<[1], [0], [0], [1], [0, 0, 1, 1], [], []>, transpose_lhs_hint = false} : vector<32x128xf32>, vector<128x128xf32>, vector<32x128xf32> -> vector<32x128xf32>
    %mul3A_18 = arith.mulf %dot_general3A_17, %dot_general3A_17 : vector<32x128xf32>
    %reduce_sum3A = arith.constant dense<0.000000e+00> : vector<32xf32>
    %reduce_sum3A_19 = vector.multi_reduction <add>, %mul3A_18, %reduce_sum3A [1] : vector<32x128xf32> to vector<32xf32>
    %broadcast_in_dim3A = vector.shape_cast %reduce_sum3A_19 : vector<32xf32> to vector<32x1xf32>
    %sqrt3A = math.sqrt %broadcast_in_dim3A : vector<32x1xf32>
    %max3A_20 = arith.constant 9.99999993E-9 : f32
    %max3A_21 = vector.broadcast %max3A_20 : f32 to vector<32x1xf32>
    %max3A_22 = arith.maximumf %sqrt3A, %max3A_21 : vector<32x1xf32>
    %div3A_23 = vector.broadcast %max3A_22 : vector<32x1xf32> to vector<32x128xf32>
    %div3A_24 = arith.divf %dot_general3A_17, %div3A_23 : vector<32x128xf32>
    %get3A_25 = arith.constant 0 : index
    %get3A_26 = arith.constant 0 : index
    %get3A_27 = vector.load %arg5[%get3A_25, %get3A_26] : memref<32x128xf32, #tpu.memory_space<vmem>>, vector<32x128xf32>
    %mul3A_28 = arith.mulf %get3A_27, %get3A_27 : vector<32x128xf32>
    %reduce_sum3A_29 = arith.constant dense<0.000000e+00> : vector<32xf32>
    %reduce_sum3A_30 = vector.multi_reduction <add>, %mul3A_28, %reduce_sum3A_29 [1] : vector<32x128xf32> to vector<32xf32>
    %broadcast_in_dim3A_31 = vector.shape_cast %reduce_sum3A_30 : vector<32xf32> to vector<32x1xf32>
    %sqrt3A_32 = math.sqrt %broadcast_in_dim3A_31 : vector<32x1xf32>
    %max3A_33 = arith.constant 9.99999993E-9 : f32
    %max3A_34 = vector.broadcast %max3A_33 : f32 to vector<32x1xf32>
    %max3A_35 = arith.maximumf %sqrt3A_32, %max3A_34 : vector<32x1xf32>
    %div3A_36 = vector.broadcast %max3A_35 : vector<32x1xf32> to vector<32x128xf32>
    %div3A_37 = arith.divf %get3A_27, %div3A_36 : vector<32x128xf32>
    %transpose3A_38 = tpu.transpose %div3A_37, [1, 0] : vector<32x128xf32> -> vector<128x32xf32>
    %dot_general3A_39 = arith.constant dense<0.000000e+00> : vector<32x32xf32>
    %dot_general3A_40 = tpu.matmul %div3A_24, %transpose3A_38, %dot_general3A_39 {dimension_numbers = #tpu.dot_dimension_numbers<[1], [0], [0], [1], [0, 0, 1, 1], [], []>, transpose_lhs_hint = false} : vector<32x128xf32>, vector<128x32xf32>, vector<32x32xf32> -> vector<32x32xf32>
    %div3A_41 = arith.constant 1.000000e+00 : f32
    %div3A_42 = vector.broadcast %div3A_41 : f32 to vector<32x32xf32>
    %div3A_43 = arith.divf %dot_general3A_40, %div3A_42 : vector<32x32xf32>
    %reduce_max3A = arith.constant dense<0xFF800000> : vector<32xf32>
    %reduce_max3A_44 = vector.multi_reduction <maximumf>, %div3A_43, %reduce_max3A [1] : vector<32x32xf32> to vector<32xf32>
    %broadcast_in_dim3A_45 = vector.shape_cast %reduce_max3A_44 : vector<32xf32> to vector<32x1xf32>
    %sub3A = vector.broadcast %broadcast_in_dim3A_45 : vector<32x1xf32> to vector<32x32xf32>
    %sub3A_46 = arith.subf %div3A_43, %sub3A : vector<32x32xf32>
    %exp3A = math.exp %sub3A_46 : vector<32x32xf32>
    %reduce_sum3A_47 = arith.constant dense<0.000000e+00> : vector<32xf32>
    %reduce_sum3A_48 = vector.multi_reduction <add>, %exp3A, %reduce_sum3A_47 [1] : vector<32x32xf32> to vector<32xf32>
    %broadcast_in_dim3A_49 = vector.shape_cast %reduce_sum3A_48 : vector<32xf32> to vector<32x1xf32>
    %div3A_50 = vector.broadcast %broadcast_in_dim3A_49 : vector<32x1xf32> to vector<32x32xf32>
    %div3A_51 = arith.divf %exp3A, %div3A_50 : vector<32x32xf32>
    %mul3A_52 = arith.mulf %div3A_51, %convert_element_type3A_5 : vector<32x32xf32>
    %reduce_sum3A_53 = arith.constant dense<0.000000e+00> : vector<32xf32>
    %reduce_sum3A_54 = vector.multi_reduction <add>, %mul3A_52, %reduce_sum3A_53 [1] : vector<32x32xf32> to vector<32xf32>
    %broadcast_in_dim3A_55 = vector.shape_cast %reduce_sum3A_54 : vector<32xf32> to vector<32x1xf32>
    %add3A = arith.constant 9.99999996E-13 : f32
    %add3A_56 = vector.broadcast %add3A : f32 to vector<32x1xf32>
    %add3A_57 = arith.addf %broadcast_in_dim3A_55, %add3A_56 : vector<32x1xf32>
    %log3A = math.log %add3A_57 : vector<32x1xf32>
    %reduce_sum3A_58 = vector.shape_cast %log3A : vector<32x1xf32> to vector<1x32x1xf32>
    %reduce_sum3A_59 = arith.constant dense<0.000000e+00> : vector<1xf32>
    %reduce_sum3A_60 = vector.multi_reduction <add>, %reduce_sum3A_58, %reduce_sum3A_59 [1, 2] : vector<1x32x1xf32> to vector<1xf32>
    %reduce_sum3A_61 = vector.shape_cast %reduce_sum3A_60 : vector<1xf32> to vector<1x1x1xf32>
    %reduce_sum3A_62 = vector.extract %reduce_sum3A_61[0, 0, 0] : f32 from vector<1x1x1xf32>
    %broadcast_in_dim3A_63 = vector.broadcast %reduce_sum3A_62 : f32 to vector<1x1xf32>
    %neg3A = arith.constant 0.000000e+00 : f32
    %neg3A_64 = vector.broadcast %neg3A : f32 to vector<1x1xf32>
    %neg3A_65 = arith.subf %neg3A_64, %broadcast_in_dim3A_63 : vector<1x1xf32>
    %div3A_66 = arith.constant 3.200000e+01 : f32
    %div3A_67 = vector.broadcast %div3A_66 : f32 to vector<1x1xf32>
    %div3A_68 = arith.divf %neg3A_65, %div3A_67 : vector<1x1xf32>
    %get3A_69 = arith.constant 0 : index
    %get3A_70 = arith.constant 0 : index
    %get3A_71 = vector.load %arg2[%get3A_69, %get3A_70] : memref<1x1xf32, #tpu.memory_space<vmem>>, vector<1x1xf32>
    %neg3A_72 = arith.constant 0.000000e+00 : f32
    %neg3A_73 = vector.broadcast %neg3A_72 : f32 to vector<1x1xf32>
    %neg3A_74 = arith.subf %neg3A_73, %get3A_71 : vector<1x1xf32>
    %div3A_75 = arith.constant 1.000000e+05 : f32
    %div3A_76 = vector.broadcast %div3A_75 : f32 to vector<1x1xf32>
    %div3A_77 = arith.divf %neg3A_74, %div3A_76 : vector<1x1xf32>
    %get3A_78 = arith.constant 0 : index
    %get3A_79 = arith.constant 0 : index
    %get3A_80 = vector.load %arg3[%get3A_78, %get3A_79] : memref<32x16xf32, #tpu.memory_space<vmem>>, vector<32x16xf32>
    %reduce_sum3A_81 = vector.shape_cast %get3A_80 : vector<32x16xf32> to vector<1x32x16xf32>
    %reduce_sum3A_82 = arith.constant dense<0.000000e+00> : vector<1xf32>
    %reduce_sum3A_83 = vector.multi_reduction <add>, %reduce_sum3A_81, %reduce_sum3A_82 [1, 2] : vector<1x32x16xf32> to vector<1xf32>
    %reduce_sum3A_84 = vector.shape_cast %reduce_sum3A_83 : vector<1xf32> to vector<1x1x1xf32>
    %reduce_sum3A_85 = vector.extract %reduce_sum3A_84[0, 0, 0] : f32 from vector<1x1x1xf32>
    %broadcast_in_dim3A_86 = vector.broadcast %reduce_sum3A_85 : f32 to vector<1x1xf32>
    %neg3A_87 = arith.constant 0.000000e+00 : f32
    %neg3A_88 = vector.broadcast %neg3A_87 : f32 to vector<1x1xf32>
    %neg3A_89 = arith.subf %neg3A_88, %broadcast_in_dim3A_86 : vector<1x1xf32>
    %div3A_90 = arith.constant 1.600000e+06 : f32
    %div3A_91 = vector.broadcast %div3A_90 : f32 to vector<1x1xf32>
    %div3A_92 = arith.divf %neg3A_89, %div3A_91 : vector<1x1xf32>
    %add3A_93 = arith.addf %div3A_68, %div3A_77 : vector<1x1xf32>
    %add3A_94 = arith.addf %add3A_93, %div3A_92 : vector<1x1xf32>
    %mul3A_95 = arith.constant 1.000000e+00 : f32
    %mul3A_96 = vector.broadcast %mul3A_95 : f32 to vector<1x1xf32>
    %mul3A_97 = arith.mulf %mul3A_96, %add3A_94 : vector<1x1xf32>
    %swap3A = arith.constant 0 : index
    %swap3A_98 = arith.constant 0 : index
    %swap3A_99 = vector.load %arg6[%swap3A, %swap3A_98] : memref<1x1xf32, #tpu.memory_space<vmem>>, vector<1x1xf32>
    tpu.vector_store %arg6[%swap3A, %swap3A_98], %mul3A_97 {strides = array<i32>} : memref<1x1xf32, #tpu.memory_space<vmem>>, vector<1x1xf32>,
    return
  }
}

</mosaic_0001>

<sc_bundles>
// kernel: kernel.7.cloned.1.call-start
scs
__scs_entry_jumppad:
0x0: {  	(pc) =	sbr.rel $0x88, $3  }
0x1: {  	(tag) =	ssettag $0x0;
	lr =	simm.s32 $0x1  }
0x2: {  	[smem:$0x3F9C] =	sst lr;
	_ =	strace $0xD0000000  }
0x3: {  	_ = 	snop  }
0x4: {  	_ = 	snop  }
0x5: {  	_ = 	snop  }
0x6: {  	_ = 	snop  }
0x7: {  	_ = 	snop  }
__scs_overlays_trampoline_lowered:
0x8: {  	[smem:$0x3FAB] =	sst s0  }
0x9: {  	[smem:$0x3FAC] =	sst s1  }
0xa: {  	[smem:$0x3FAD] =	sst s2  }
0xb: {  	[smem:$0x3FAE] =	sst s3  }
0xc: {  	[smem:$0x3FAF] =	sst s4  }
0xd: {  	[smem:$0x3FB0] =	sst s5  }
0xe: {  	[smem:$0x3FB1] =	sst s6  }
0xf: {  	[smem:$0x3FB2] =	sst s7  }
0x10: {  	[smem:$0x3FB3] =	sst s8  }
0x11: {  	[smem:$0x3FB4] =	sst s9;
	s0 =	simm.s32 @!p0 $0x0  }
0x12: {  	s1 =	sld [smem:$0x3F9A];
	s0 =	simm.s32 @p0 $0x1  }
0x13: {  	[smem:$0x3FB5] =	sst s0;
	s0 =	simm.s32 @!p1 $0x0  }
0x14: {  	s2 =	sld [smem:$0x3F99];
	s0 =	simm.s32 @p1 $0x1  }
0x15: {  	[smem:$0x3FB6] =	sst s0;
	s0 =	simm.s32 @!p2 $0x0  }
0x16: {  	s3 =	sld [smem:$0x3FDB];
	s0 =	simm.s32 @p2 $0x1  }
0x17: {  	s4 =	simm.s32 $0x1BF5;
	[smem:$0x3FB8] =	sst s0  }
0x18: {  	s0 =	sld [smem:$0x3F9B];
	_ =	swait.ge [sflag:s4], $0x0  }
0x19: {  	s7 =	sld [smem:$0x3F9C]  }
0x1a: {  	s8 =	sadd.s32 $0xFFFFE003, lr  }
0x1b: {  	s9 =	sadd.s32 $0xFFFFFEF7, lr;
	s5 =	simm.s32 $0xFFFFFFFF;
	p2 =	slt.u32 s8, $0xFFFFF086  }
0x1c: {  	p1 =	slt.u32 s9, $0xF7A;
	s5 =	simm.s32 @!p2 $0x0  }
0x1d: {  	s5 =	simm.s32 @p1 $0x1;
	p0 =	seq.s32 s7, s2  }
0x1e: {  	s7 =	smul.u32 @!p0 $0xF7A, s2;
	p2 =	seq.s32 @!p0 s5, $0x0  }
0x1f: {  	s9 =	smul.u32 $0xF7A, s1;
	s8 =	simm.s32 @!p0 $0x1BF5;
	p2 =	por !p2, p0  }
0x20: {  	[sflag:s8] =	ssyncset.s32 @!p0 $0xFFFFF086;
	s6 =	sadd.s32 @!p0 s3, s7;
	s7 =	simm.s32 @!p0 $0x108  }
0x21: {  	s3 =	sadd.s32 s3, s9;
	s6 =	sadd.s32 @!p0 $0x88, s6;
	s7 =	simm.s32 @p2 $0x1082  }
0x22: {  	[simem:s7], [sflag:s8] =	dma.local @!p0 [hbm:s6], $0xF7A  }
0x23: {  	s9 =	sor.u32 $0xD0000000, s2;
	s6 =	simm.s32 $0x108;
	_ =	swait.ge @!p0 [sflag:s8], $0x0  }
0x24: {  	s3 =	sadd.s32 $0x88, s3;
	s6 =	simm.s32 @!p1 $0x1082;
	[sflag:s4] =	ssyncset.s32 $0xFFFFF086  }
0x25: {  	[simem:s6], [sflag:s4] =	dma.local [hbm:s3], $0xF7A  }
0x26: {  	[smem:$0x3F9C] =	sst s1;
	(tag) =	ssettag s2;
	_ =	strace s9  }
0x27: {  	s1 =	sld [smem:$0x3FAC]  }
0x28: {  	s2 =	sld [smem:$0x3FAD]  }
0x29: {  	s4 =	sld [smem:$0x3FAF]  }
0x2a: {  	p0 =	seq.s32 s5, $0x0;
	s5 =	sld [smem:$0x3FB0]  }
0x2b: {  	s6 =	sld [smem:$0x3FB1]  }
0x2c: {  	s7 =	sld [smem:$0x3FB2]  }
0x2d: {  	s3 =	simm.s32 $0x108;
	s8 =	sld [smem:$0x3FB3]  }
0x2e: {  	s3 =	simm.s32 @!p0 $0x1082;
	s9 =	sld [smem:$0x3FB4]  }
0x2f: {  	lr =	sadd.s32 s0, s3;
	s0 =	sld [smem:$0x3FAB]  }
0x30: {  	s3 =	sld [smem:$0x3FAE]  }
0x31: {  	[smem:$0x3FB7] =	sst s10  }
0x32: {  	s10 =	sld [smem:$0x3FB5];
	_ =	sdelay $0x3  }
0x33: {  	p0 =	seq.s32 s10, $0x1;
	s10 =	sld [smem:$0x3FB7];
	_ =	sdelay $0x3  }
0x34: {  	[smem:$0x3FB7] =	sst s10  }
0x35: {  	s10 =	sld [smem:$0x3FB6];
	_ =	sdelay $0x3  }
0x36: {  	p1 =	seq.s32 s10, $0x1;
	s10 =	sld [smem:$0x3FB7];
	_ =	sdelay $0x3  }
0x37: {  	[smem:$0x3FB7] =	sst s10  }
0x38: {  	s10 =	sld [smem:$0x3FB8]  }
0x39: {  	_ = 	snop;
	(pc) =	sbr.ind lr, $3  }
0x3a: {  	_ = 	snop  }
0x3b: {  	_ = 	snop  }
0x3c: {  	p2 =	seq.s32 s10, $0x1;
	s10 =	sld [smem:$0x3FB7]  }
0x3d: {  	_ =	shalt  }
0x3e: {  	_ =	shalt  }
0x3f: {  	_ =	shalt  }
0x40: {  	_ =	shalt  }
0x41: {  	_ =	shalt  }
0x42: {  	_ =	shalt  }
0x43: {  	_ =	shalt  }
0x44: {  	_ =	shalt  }
0x45: {  	_ =	shalt  }
0x46: {  	_ =	shalt  }
0x47: {  	_ =	shalt  }
0x48: {  	_ =	shalt  }
0x49: {  	_ =	shalt  }
0x4a: {  	_ =	shalt  }
0x4b: {  	_ =	shalt  }
0x4c: {  	_ =	shalt  }
0x4d: {  	_ =	shalt  }
0x4e: {  	_ =	shalt  }
0x4f: {  	_ =	shalt  }
0x50: {  	_ =	shalt  }
0x51: {  	_ =	shalt  }
0x52: {  	_ =	shalt  }
0x53: {  	_ =	shalt  }
0x54: {  	_ =	shalt  }
0x55: {  	_ =	shalt  }
0x56: {  	_ =	shalt  }
0x57: {  	_ =	shalt  }
0x58: {  	_ =	shalt  }
0x59: {  	_ =	shalt  }
0x5a: {  	_ =	shalt  }
0x5b: {  	_ =	shalt  }
0x5c: {  	_ =	shalt  }
0x5d: {  	_ =	shalt  }
0x5e: {  	_ =	shalt  }
0x5f: {  	_ =	shalt  }
0x60: {  	_ =	shalt  }
0x61: {  	_ =	shalt  }
0x62: {  	_ =	shalt  }
0x63: {  	_ =	shalt  }
0x64: {  	_ =	shalt  }
0x65: {  	_ =	shalt  }
0x66: {  	_ =	shalt  }
0x67: {  	_ =	shalt  }
0x68: {  	_ =	shalt  }
0x69: {  	_ =	shalt  }
0x6a: {  	_ =	shalt  }
0x6b: {  	_ =	shalt  }
0x6c: {  	_ =	shalt  }
0x6d: {  	_ =	shalt  }
0x6e: {  	_ =	shalt  }
0x6f: {  	_ =	shalt  }
0x70: {  	_ =	shalt  }
0x71: {  	_ =	shalt  }
0x72: {  	_ =	shalt  }
0x73: {  	_ =	shalt  }
0x74: {  	_ =	shalt  }
0x75: {  	_ =	shalt  }
0x76: {  	_ =	shalt  }
0x77: {  	_ =	shalt  }
0x78: {  	_ =	shalt  }
0x79: {  	_ =	shalt  }
0x7a: {  	_ =	shalt  }
0x7b: {  	_ =	shalt  }
0x7c: {  	_ =	shalt  }
0x7d: {  	_ =	shalt  }
0x7e: {  	_ =	shalt  }
0x7f: {  	_ =	shalt  }
0x80: {  	_ =	shalt  }
0x81: {  	_ =	shalt  }
0x82: {  	_ =	shalt  }
0x83: {  	_ =	shalt  }
0x84: {  	_ =	shalt  }
0x85: {  	_ =	shalt  }
0x86: {  	_ =	shalt  }
0x87: {  	_ =	shalt  }
.Lfunc_end0:
.L_simem_size_0:
called_computation_lowered:
.L_overlay_start_0:
0x88: {  	s2 =	sld [smem:$0x3FD9]  }
0x89: {  	s3 =	sld [smem:$0x3FFE];
	_ =	sdelay $0x1  }
0x8a: {  	s1 =	srdreg.scid  }
0x8b: {  	s0 =	sand.u32 $0x1, s1  }
0x8c: {  	s16 =	sshll.u32 s0, $0xA;
	s2 =	sadd.s32 s3, s2  }
0x8d: {  	s2 =	sadd.s32 s2, s16  }
0x8e: {  	[smem:$0x3FC3] =	sst s2  }
0x8f: {  	_ = 	snop  }
0x90: {  	(tm) =	ssettm $0x1  }
0x91: {  	s17 =	sld [smem:$0x3FFB];
	_ =	sdelay $0x3  }
0x92: {  	_ =	strace s17  }
0x93: {  	s2 =	sld [smem:$0x3FFC];
	_ =	sdelay $0x3  }
0x94: {  	_ =	strace s2  }
0x95: {  	s2 =	sld [smem:$0x3FFD];
	_ =	sdelay $0x3  }
0x96: {  	_ =	strace s2  }
0x97: {  	_ =	strace $0x8FFFFFFF  }
0x98: {  	s18 =	sld [smem:$0x3FDB];
	_ =	sdelay $0x1  }
0x99: {  	s19 =	simm.s32 $_scs_section_size  }
0x9a: {  	s4 =	simm.s32 $_size__tile_overlayer_lowered;
	s5 =	simm.s32 $_tile_overlayer_lowered  }
0x9b: {  	s22 =	simm.s32 $0x1BFF;
	s21 =	sshll.u32 s5, $0x1;
	s2 =	sadd.s32 s19, s18  }
0x9c: {  	s6 =	simm.s32 $0x0;
	s20 =	sshll.u32 s4, $0x1;
	s4 =	sadd.s32 s21, s2  }
0x9d: {  	[timem:s6], [sflag:s22] =	dma.local [hbm:s4], s20  }
0x9e: {  	_ =	swait.ge [sflag:s22], s20  }
0x9f: {  	s3 =	ssub.s32 $0x0, s20;
	[sflag:s22] =	ssyncset.done $0x0  }
0xa0: {  	[sflag:s22] =	ssyncadd.s32 s3;
	_ =	sdelay $0x1  }
0xa1: {  	s23 =	simm.s32 $0x1B8B  }
0xa2: {  	_ =	swait.ge [sflag:s23], $0x1  }
0xa3: {  	[sflag:s23] =	ssyncset.done $0x0  }
0xa4: {  	s25 =	simm.s32 $0x1B8E;
	s24 =	sld [smem:$0x3FFE];
	[sflag:s23] =	ssyncadd.s32 $0xFFFFFFFF  }
0xa5: {  	s26 =	simm.s32 $execute0_lowered;
	[smem:$0x3FD2] =	sst s25  }
0xa6: {  	s4 =	sshll.u32 s26, $0x1;
	_ =	strace $0x80000046;
	[dreg:$0x1] =	wrdreg $0xFFFFFFFF  }
0xa7: {  	s28 =	simm.s32 $_size_execute0_lowered;
	s2 =	sadd.s32 s2, s4;
	[dreg:$0x0] =	wrdreg $0x0  }
0xa8: {  	s4 =	sshll.u32 s28, $0x1;
	[dreg:$0x2] =	wrdreg s2  }
0xa9: {  	[dreg:$0x3] =	wrdreg s4  }
0xaa: {  	[dreg:$0x4] =	wrdreg $0xC0  }
0xab: {  	_ =	task [dreg:s6], $0x5FFFF  }
0xac: {  	[dreg:$0x1] =	wrdreg $0xFFFFFFFF  }
0xad: {  	[dreg:$0x0] =	wrdreg $0x60  }
0xae: {  	[dreg:$0x2] =	wrdreg s24  }
0xaf: {  	[dreg:$0x3] =	wrdreg $0x9  }
0xb0: {  	_ =	task.clear_ibuf [dreg:s6], $0x4FFFF;
	_ =	strace $0x90000046  }
0xb1: {  	s29 =	simm.s32 $0x9;
	_ =	strace $0x80000048  }
0xb2: {  	_ =	swait.ge [sflag:s29], $0x1  }
0xb3: {  	[sflag:s29] =	ssyncadd.s32 $0xFFFFFFFF  }
0xb4: {  	_ =	strace $0x90000048  }
0xb5: {  	_ =	sfence  }
0xb6: {  	s30 =	sld [smem:$0x0];
	_ =	sdelay $0x2  }
0xb7: {  	s31 =	sshll.u32 s1, $0xD;
	s1 =	sshrl.u32 s1, $0x2  }
0xb8: {  	s3 =	sand.u32 $0x4000, s31;
	s1 =	sadd.s32 s1, s30  }
0xb9: {  	s0 =	sor.u32 s3, s0;
	s1 =	sshll.u32 s1, $0x11  }
0xba: {  	s0 =	sor.u32 s1, s0  }
0xbb: {  	s0 =	sadd.s32 $0x8F2B, s0  }
0xbc: {  	[sflag:s0] =	ssyncadd.remote.s32 $0x1  }
0xbd: {  	_ =	sfence.sel $0xFFFF  }
0xbe: {  	[dreg:$0x0] =	wrdreg $0xFFFFFFFF;
	(pc) =	sbr.abs _section_cstart, $3  }
0xbf: {  	[dreg:$0x1] =	wrdreg $0xFFFFFFFF  }
0xc0: {  	_ =	task.clear_ibuf [dreg:s6], $0x2FFFF;
	_ =	strace $0x9FFFFFFF  }
0xc1: {  	(tm) =	ssettm $0x7FFFFFFF  }
tec
execute0_lowered:
.L_overlay_start_1:
0x0: {  	(tag) =	ssettag $0x1  }
0x1: {  	s6 =	rddreg [dreg:$0x0]  }
0x2: {  	s0 =	rddreg [dreg:$0x1]  }
0x3: {  	s2 =	simm.s32 $0x0;
	s4 =	srdreg.scid;
	s1 =	stileid.u32  }
0x4: {  	s11 =	simm.s32 $0x7D0;
	s12 =	simm.s32 $0x84D0;
	s13 =	simm.s32 $0x1  }
0x5: {  	s14 =	simm.s32 $0x101D0;
	s15 =	simm.s32 $0x0;
	s19 =	simm.s32 $0x0  }
0x6: {  	[smem:$0x7FF] =	sst s2;
	s5 =	sand.u32 $0x1, s4;
	s7 =	sshll.u32 s1, $0x1  }
0x7: {  	s3 =	sadd.s32 $0x188200, s6;
	s4 =	sadd.s32 $0x21AC00, s6;
	s7 =	sor.u32 s5, s7  }
0x8: {  	_ =	strace $0x80000047;
	s8 =	ssub.s32 $0x2, s5;
	s9 =	sshll.u32 s7, $0x1  }
0x9: {  	s5 =	sadd.s32 $0x1E9E00, s6;
	s10 =	sshrl.u32 s8, $0x1;
	s9 =	sadd.s32 s9, s6  }
0xa: {  	s8 =	ssub.s32 s8, s10;
	s6 =	smul.u32 $0xC350, s7;
	s10 =	simm.s32 $0x3E8  }
0xb: {  	s7 =	sadd.s32 $0x24BA00, s9;
	s8 =	smax.u32 s8, $0x1;
	s9 =	simm.s32 $0x2  }
.LBB2_1:
0xc: {  	v0 =	vimm.f32 $0.0e+00;
	v1 =	vimm.f32 $0.0e+00  }
0xd: {  	v2 =	vimm.f32 $0.0e+00;
	v3 =	vimm.f32 $0.0e+00;
	v4 =	vimm.f32 $0.0e+00  }
0xe: {  	v5 =	vimm.f32 $0.0e+00;
	v6 =	vimm.f32 $0.0e+00;
	v7 =	vimm.f32 $0.0e+00;
	s16 =	simm.s32 $0x0  }
.LBB2_2:
0xf: {  	s17 =	smul.u32 $0x3E8, s16;
	_ =	sdelay $0x1  }
0x10: {  	s17 =	sadd.s32 s6, s17  }
0x11: {  	s17 =	sshrl.u32 s17, $0x3  }
0x12: {  	s18 =	sadd.s32 s4, s17  }
0x13: {  	[tilespmem:s19], [sflag:$0x2] =	stream.linear.gather [hbm4b:s18+s19], $0x3E8, $0x38;
	[tilespmem:$0x101E0] =	vst v63  }
0x14: {  	_ =	swait.ge [sflag:s9], $0x3E8  }
0x15: {  	[sflag:s9] =	ssyncset.done $0x0  }
0x16: {  	s17 =	sadd.s32 s5, s17;
	[sflag:s9] =	ssyncadd.s32 $0xFFFFFC18  }
0x17: {  	[tilespmem:s10], [sflag:$0x2] =	stream.linear.gather [hbm4b:s17+s19], $0x3E8, $0x38;
	[tilespmem:$0x101E0] =	vst v63  }
0x18: {  	_ =	swait.ge [sflag:s9], $0x3E8  }
0x19: {  	[sflag:s9] =	ssyncset.done $0x0  }
0x1a: {  	[sflag:s9] =	ssyncadd.s32 $0xFFFFFC18  }
0x1b: {  	[tilespmem:s11], [sflag:$0x1] =	stream.indirect.gather [hbm4b:s3+s10], $0x20, s19, s10, $0xb8;
	[tilespmem:$0x101E0] =	vst v63  }
0x1c: {  	_ = 	snop  }
0x1d: {  	[tilespmem:s12], [sflag:$0x1] =	stream.indirect.gather [hbm4b:s3+s10], $0x20, s10, s10, $0xb8;
	[tilespmem:$0x101E0] =	vst v63  }
0x1e: {  	_ =	swait.ge [sflag:s13], $0x7D00  }
0x1f: {  	[sflag:s13] =	ssyncset.done $0x0  }
0x20: {  	[sflag:s13] =	ssyncadd.s32 $0xFFFF8300  }
0x21: {  	_ =	swait.ge [sflag:s13], $0x7D00  }
0x22: {  	[sflag:s13] =	ssyncset.done $0x0  }
0x23: {  	s17 =	simm.s32 $0x0;
	[sflag:s13] =	ssyncadd.s32 $0xFFFF8300  }
0x24: {  	v10 =	vld [tilespmem:s17+$0x7E0]  }
0x25: {  	v11 =	vld [tilespmem:s17+$0x84E0]  }
0x26: {  	v14 =	vld [tilespmem:s17+$0x800]  }
0x27: {  	v15 =	vld [tilespmem:s17+$0x8500]  }
0x28: {  	v28 =	vld [tilespmem:s17+$0x820]  }
0x29: {  	v29 =	vld [tilespmem:s17+$0x8520]  }
0x2a: {  	v31 =	vld [tilespmem:s17+$0x840]  }
0x2b: {  	v32 =	vld [tilespmem:s17+$0x8540]  }
0x2c: {  	v33 =	vld [tilespmem:s17+$0x860]  }
0x2d: {  	v34 =	vld [tilespmem:s17+$0x8560]  }
0x2e: {  	v35 =	vld [tilespmem:s17+$0x880]  }
0x2f: {  	v36 =	vld [tilespmem:s17+$0x8580]  }
0x30: {  	v8 =	vld [tilespmem:s17+$0x8A0]  }
0x31: {  	v9 =	vld [tilespmem:s17+$0x85A0]  }
0x32: {  	v12 =	vld [tilespmem:s17+$0x7D0]  }
0x33: {  	v16 =	vld [tilespmem:s17+$0x84D0]  }
0x34: {  	v20 =	vld [tilespmem:s17+$0x7F0]  }
0x35: {  	v24 =	vld [tilespmem:s17+$0x84F0]  }
0x36: {  	v22 =	vld [tilespmem:s17+$0x810]  }
0x37: {  	v25 =	vld [tilespmem:s17+$0x8510]  }
0x38: {  	v26 =	vld [tilespmem:s17+$0x830]  }
0x39: {  	v30 =	vld [tilespmem:s17+$0x8530]  }
0x3a: {  	v23 =	vld [tilespmem:s17+$0x850]  }
0x3b: {  	v27 =	vld [tilespmem:s17+$0x8550]  }
0x3c: {  	v13 =	vld [tilespmem:s17+$0x870]  }
0x3d: {  	v21 =	vld [tilespmem:s17+$0x8570]  }
0x3e: {  	v19 =	vld [tilespmem:s17+$0x890];
	v17 =	vmul.f32 v11, v10;
	v18 =	vmul.f32 v15, v14  }
0x3f: {  	v14 =	vmul.f32 v29, v28;
	v15 =	vmul.f32 v32, v31;
	v29 =	vld [tilespmem:s17+$0x8590]  }
0x40: {  	s18 =	simm.s32 $0x400;
	v10 =	vmul.f32 v34, v33;
	v11 =	vmul.f32 v36, v35;
	v28 =	vld [tilespmem:s17+$0x8B0]  }
.LBB2_3:
0x41: {  	p0 =	sne.s32 s18, $0x1F000;
	v12 =	vmul.f32 v16, v12;
	v16 =	vmul.f32 v24, v20;
	v20 =	vld [tilespmem:s17+$0x85B0]  }
0x42: {  	v22 =	vmul.f32 v25, v22;
	v24 =	vmul.f32 v30, v26;
	v25 =	vld [tilespmem:s17+$0x8C0]  }
0x43: {  	v7 =	vadd.f32 v12, v7;
	v6 =	vadd.f32 v16, v6;
	v12 =	vmul.f32 v27, v23;
	v16 =	vld [tilespmem:s17+$0x85C0];
	s17 =	sshra.s32 s18, $0x2  }
0x44: {  	v13 =	vmul.f32 v21, v13;
	v5 =	vadd.f32 v22, v5;
	v4 =	vadd.f32 v24, v4;
	v31 =	vld [tilespmem:s17+$0x7E0]  }
0x45: {  	v32 =	vld [tilespmem:s17+$0x84E0];
	v7 =	vadd.f32 v17, v7;
	v6 =	vadd.f32 v18, v6;
	v17 =	vmul.f32 v29, v19  }
0x46: {  	v5 =	vadd.f32 v14, v5;
	v4 =	vadd.f32 v15, v4;
	v18 =	vld [tilespmem:s17+$0x800];
	v14 =	vmul.f32 v20, v28  }
0x47: {  	v8 =	vmul.f32 v9, v8;
	v2 =	vadd.f32 v13, v2;
	v3 =	vadd.f32 v12, v3;
	v15 =	vld [tilespmem:s17+$0x8500]  }
0x48: {  	v1 =	vadd.f32 v17, v1;
	v28 =	vld [tilespmem:s17+$0x820];
	v9 =	vmul.f32 v16, v25;
	v0 =	vadd.f32 v14, v0  }
0x49: {  	v2 =	vadd.f32 v11, v2;
	v3 =	vadd.f32 v10, v3;
	v14 =	vld [tilespmem:s17+$0x8520]  }
0x4a: {  	v1 =	vadd.f32 v8, v1;
	v10 =	vld [tilespmem:s17+$0x840];
	v0 =	vadd.f32 v9, v0  }
0x4b: {  	v11 =	vld [tilespmem:s17+$0x8540]  }
0x4c: {  	v33 =	vld [tilespmem:s17+$0x860]  }
0x4d: {  	v34 =	vld [tilespmem:s17+$0x8560]  }
0x4e: {  	v35 =	vld [tilespmem:s17+$0x880]  }
0x4f: {  	v36 =	vld [tilespmem:s17+$0x8580]  }
0x50: {  	v8 =	vld [tilespmem:s17+$0x8A0]  }
0x51: {  	v9 =	vld [tilespmem:s17+$0x85A0]  }
0x52: {  	v12 =	vld [tilespmem:s17+$0x7D0]  }
0x53: {  	v16 =	vld [tilespmem:s17+$0x84D0]  }
0x54: {  	v20 =	vld [tilespmem:s17+$0x7F0]  }
0x55: {  	v24 =	vld [tilespmem:s17+$0x84F0]  }
0x56: {  	v22 =	vld [tilespmem:s17+$0x810]  }
0x57: {  	v25 =	vld [tilespmem:s17+$0x8510]  }
0x58: {  	v26 =	vld [tilespmem:s17+$0x830]  }
0x59: {  	v30 =	vld [tilespmem:s17+$0x8530]  }
0x5a: {  	v23 =	vld [tilespmem:s17+$0x850]  }
0x5b: {  	v27 =	vld [tilespmem:s17+$0x8550]  }
.Ltmp0:
0x5c: {  	v13 =	vld [tilespmem:s17+$0x870];
	(pc) =	sbr.rel @p0 .LBB2_3-.Ltmp0, $4  }
0x5d: {  	v21 =	vld [tilespmem:s17+$0x8570]  }
0x5e: {  	v17 =	vmul.f32 v32, v31;
	v18 =	vmul.f32 v15, v18;
	v19 =	vld [tilespmem:s17+$0x890]  }
0x5f: {  	v14 =	vmul.f32 v14, v28;
	v15 =	vmul.f32 v11, v10;
	v29 =	vld [tilespmem:s17+$0x8590]  }
0x60: {  	s18 =	sadd.s32 $0x400, s18;
	v10 =	vmul.f32 v34, v33;
	v11 =	vmul.f32 v36, v35;
	v28 =	vld [tilespmem:s17+$0x8B0]  }
0x61: {  	v12 =	vmul.f32 v16, v12  }
0x62: {  	v55 =	vmul.f32 v24, v20;
	v56 =	vld [tilespmem:s17+$0x85B0];
	v22 =	vmul.f32 v25, v22  }
0x63: {  	v57 =	vmul.f32 v30, v26;
	v58 =	vld [tilespmem:s17+$0x8C0];
	v59 =	vmul.f32 v27, v23  }
0x64: {  	v60 =	vld [tilespmem:s17+$0x85C0];
	v13 =	vmul.f32 v21, v13;
	v7 =	vadd.f32 v12, v7;
	v6 =	vadd.f32 v55, v6  }
0x65: {  	s16 =	sadd.s32 $0x1, s16;
	v5 =	vadd.f32 v22, v5;
	v4 =	vadd.f32 v57, v4  }
0x66: {  	p0 =	sne.s32 s16, $0x32;
	v3 =	vadd.f32 v59, v3;
	v61 =	vmul.f32 v29, v19;
	v2 =	vadd.f32 v13, v2  }
.Ltmp1:
0x67: {  	v7 =	vadd.f32 v17, v7;
	v6 =	vadd.f32 v18, v6;
	v62 =	vmul.f32 v56, v28;
	(pc) =	sbr.rel @p0 .LBB2_2-.Ltmp1, $4  }
0x68: {  	v8 =	vmul.f32 v9, v8;
	v5 =	vadd.f32 v14, v5;
	v4 =	vadd.f32 v15, v4  }
0x69: {  	v1 =	vadd.f32 v61, v1;
	v63 =	vmul.f32 v60, v58;
	v0 =	vadd.f32 v62, v0  }
0x6a: {  	v3 =	vadd.f32 v10, v3;
	v2 =	vadd.f32 v11, v2  }
0x6b: {  	v1 =	vadd.f32 v8, v1;
	v0 =	vadd.f32 v63, v0  }
0x6c: {  	v6 =	vadd.f32 v6, v7;
	_ =	sdelay $0x1  }
0x6d: {  	v5 =	vadd.f32 v5, v6;
	_ =	sdelay $0x1  }
0x6e: {  	v4 =	vadd.f32 v4, v5;
	_ =	sdelay $0x1  }
0x6f: {  	v3 =	vadd.f32 v3, v4;
	_ =	sdelay $0x1  }
0x70: {  	v2 =	vadd.f32 v2, v3;
	_ =	sdelay $0x1  }
0x71: {  	v1 =	vadd.f32 v1, v2;
	_ =	sdelay $0x1  }
0x72: {  	s15 =	sadd.s32 $0x1, s15;
	v0 =	vadd.f32 v0, v1  }
0x73: {  	p0 =	sne.s32 s15, s8  }
.Ltmp2:
0x74: {  	[tilespmem:$0x101D0] =	vst v0;
	(pc) =	sbr.rel @p0 .LBB2_1-.Ltmp2, $4  }
0x75: {  	[hbm4b:s7+s2] =	stream.linear.scatter [tilespmem:s14], [sflag:$0x2], $0x10, $0x38;
	[tilespmem:$0x101E0] =	vst v63  }
0x76: {  	_ =	swait.ge [sflag:s9], $0x10  }
0x77: {  	[sflag:s9] =	ssyncset.done $0x0  }
0x78: {  	[sflag:s9] =	ssyncadd.s32 $0xFFFFFFF0  }
0x79: {  	_ =	sfence.sel $0x180000  }
0x7a: {  	[bflag:$0x0] =	sbarrier.arrive $0xFFFF  }
0x7b: {  	p0 =	sne.s32 s1, $0x0;
	_ =	strace $0x90000047  }
0x7c: {  	s0 =	sadd.s32 @!p0 $0x100000, s0;
	[bflag:$0x2] =	sbarrier.arrive $0xFFFF  }
0x7d: {  	[sflag:s0] =	ssyncadd.tile.s32 @!p0 $0x1;
	_ =	shalt  }
.Lfunc_end2:
_tile_overlayer_lowered:
.L_overlay_start_2:
0x7e: {  	(tag) =	ssettag $0x2  }
0x7f: {  	s0 =	rddreg [dreg:$0x0];
	s2 =	stileid.u32  }
0x80: {  	s1 =	rddreg [dreg:$0x1];
	p0 =	sne.s32 s2, $0x0  }
0x81: {  	s3 =	rddreg [dreg:$0x2];
	[bflag:$0x3] =	sbarrier.arrive $0xFFFF;
	s2 =	simm.s32 @!p0 $0x1C02  }
0x82: {  	[timem:s3], [sflag:s2] =	dma.local @!p0 [hbm:s0], s1  }
0x83: {  	s0 =	simm.s32 @!p0 $0x2  }
0x84: {  	_ =	swait.ge @!p0 [sflag:s0], s1  }
0x85: {  	s1 =	ssub.s32 @!p0 $0x0, s1;
	[sflag:s0] =	ssyncset.done @!p0 $0x0  }
0x86: {  	[sflag:s0] =	ssyncadd.s32 @!p0 s1  }
0x87: {  	[bflag:$0x3] =	sbarrier.arrive $0xFFFF  }
0x88: {  	_ =	shalt  }

</sc_bundles>
